<compile_context>
chip_gen: v7x
topology: tpu7x:2x2x1
jax: 0.10.2.dev20260603
libtpu: 0.0.44.dev20260713+nightly
codegen_flags: <defaults>
</compile_context>

<pallas_src>
import functools

import jax
import jax.numpy as jnp
from jax import lax
from jax.experimental import pallas as pl
from jax.experimental.pallas import tpu as pltpu
from jax.experimental.pallas import tpu_sc as plsc

HIDDEN = 1024
EPS = 1e-12

_NUM_CORES = 2
_NUM_SUBCORES = 16
_NW = _NUM_CORES * _NUM_SUBCORES
_LANES = 16


def _rsqrt16(s):
    t = jnp.full((_LANES,), 1.0, jnp.float32)
    for _ in range(16):
        t = 0.5 * (t + s / t)
    return 1.0 / t


@functools.lru_cache(maxsize=None)
def _make_fused(batch, seq, v, h):
    n_tokens = batch * seq
    bpw = n_tokens // _NW
    wpb = seq // bpw
    ngrp = bpw // _LANES
    nsl = h // _LANES
    mesh = plsc.VectorSubcoreMesh(core_axis_name="c", subcore_axis_name="s")

    @functools.partial(
        pl.kernel,
        mesh=mesh,
        compiler_params=pltpu.CompilerParams(use_tc_tiling_on_sc=True),
        out_type=jax.ShapeDtypeStruct((n_tokens, h), jnp.float32),
        scratch_types=[
            pltpu.VMEM((bpw,), jnp.int32),
            pltpu.VMEM((v * h,), jnp.float32),
            pltpu.VMEM((v * h,), jnp.float32),
            pltpu.VMEM((h,), jnp.float32),
            pltpu.VMEM((h,), jnp.float32),
            pltpu.SemaphoreType.DMA,
            pltpu.SemaphoreType.DMA,
        ],
    )
    def k(tab_hbm, g_hbm, b_hbm, idx_hbm, out_hbm, idx_v, tab_v, nrm_v, g_v, b_v, sem, isem):
        wid = lax.axis_index("s") * _NUM_CORES + lax.axis_index("c")
        base = wid * bpw
        idx_cp = pltpu.async_copy(
            idx_hbm.at[wid // wpb, pl.ds((wid % wpb) * bpw, bpw)], idx_v, isem
        )
        pltpu.sync_copy(tab_hbm, tab_v)
        pltpu.sync_copy(g_hbm, g_v)
        pltpu.sync_copy(b_hbm, b_v)

        inv_h = 1.0 / h
        for r in range(v):
            roff = r * h

            def sum_body(j, accs, _roff=roff):
                acc, acc2 = accs
                x = tab_v[pl.ds(pl.multiple_of(_roff + j * _LANES, 8), _LANES)]
                return acc + x, acc2 + x * x

            zero = jnp.zeros((_LANES,), jnp.float32)
            acc, acc2 = lax.fori_loop(0, nsl, sum_body, (zero, zero))
            mean = sum(acc[t] for t in range(_LANES)) * inv_h
            msq = sum(acc2[t] for t in range(_LANES)) * inv_h
            var = msq - mean * mean
            inv = _rsqrt16(jnp.full((_LANES,), var + EPS, jnp.float32))

            def nrm_body(j, carry, _roff=roff, _mean=mean, _inv=inv):
                o = pl.multiple_of(_roff + j * _LANES, 8)
                jo = pl.multiple_of(j * _LANES, 8)
                nrm_v[pl.ds(o, _LANES)] = (
                    (tab_v[pl.ds(o, _LANES)] - _mean) * _inv * g_v[pl.ds(jo, _LANES)]
                    + b_v[pl.ds(jo, _LANES)]
                )
                return carry

            lax.fori_loop(0, nsl, nrm_body, 0)

        idx_cp.wait()

        def group(g, carry):
            goff = pl.multiple_of(g * _LANES, 8)
            idx16 = idx_v[pl.ds(goff, _LANES)]
            gbase = base + g * _LANES
            for t in range(_LANES):
                src = pl.multiple_of(idx16[t] * h, 8)
                pltpu.async_copy(
                    nrm_v.at[pl.ds(src, h)],
                    out_hbm.at[gbase + t],
                    sem,
                )
            return carry

        lax.fori_loop(0, ngrp, group, 0)

        def drain(i, carry):
            pltpu.make_async_copy(
                nrm_v.at[pl.ds(0, h)],
                out_hbm.at[base],
                sem,
            ).wait()
            return carry

        lax.fori_loop(0, bpw, drain, 0)

    return k


def kernel(sentiment_input, table, gamma, beta):
    v, h = table.shape
    batch, seq = sentiment_input.shape
    fused = _make_fused(batch, seq, v, h)
    out = fused(
        table.reshape(-1),
        gamma.reshape(-1),
        beta.reshape(-1),
        sentiment_input.astype(jnp.int32),
    )
    return out.reshape(batch, seq, h)

# --- scband reference (transcript-rebuilt; emitter-appended) ---
"""Pipeline reference for scband-sentiment-embedding-34737695490267 (READ-ONLY COPY).

The authoritative reference and input builder live on the scoring server;
editing this copy changes nothing except your own understanding.
"""

import jax, jax.numpy as jnp
import numpy as np

HIDDEN = 1024
EPS = 1e-12

def setup_inputs(seed: int = 0) -> dict:
    key = jax.random.key(seed)
    k1, k2 = jax.random.split(key)
    sentiment_input = jax.random.randint(k1, (4, 8192), 0, 3, dtype=jnp.int64) if jax.config.jax_enable_x64 else jax.random.randint(k1, (4, 8192), 0, 3, dtype=jnp.int32)
    table = jax.random.normal(k2, (3, HIDDEN), dtype=jnp.float32)
    gamma = jnp.ones((HIDDEN,), dtype=jnp.float32)
    beta = jnp.zeros((HIDDEN,), dtype=jnp.float32)
    return {"sentiment_input": sentiment_input, "table": table, "gamma": gamma, "beta": beta}

def reference(sentiment_input, table, gamma, beta):
    # embedding lookup (gather)
    emb = jnp.take(table, sentiment_input, axis=0)  # [B, S, H]
    # LayerNorm over last dim (eval mode; dropout is identity)
    mean = jnp.mean(emb, axis=-1, keepdims=True)
    var = jnp.mean(jnp.square(emb - mean), axis=-1, keepdims=True)
    normed = (emb - mean) / jnp.sqrt(var + EPS)
    out = normed * gamma + beta
    return out

if __name__ == "__main__":
    import jax
    _d = setup_inputs()
    print(jax.jit(kernel)(*tuple(_d.values())))

</pallas_src>

<mosaic_0001>
#map = affine_map<(d0, d1) -> (0)>
#map1 = affine_map<(d0, d1) -> (0, 0)>
module attributes {stable_mosaic.version = 14 : i64} {
  func.func @k(%arg0: i32, %arg1: i32, %arg2: memref<3072xf32, #tpu.memory_space<hbm>>, %arg3: memref<1024xf32, #tpu.memory_space<hbm>>, %arg4: memref<1024xf32, #tpu.memory_space<hbm>>, %arg5: memref<4x8192xi32, #tpu.memory_space<hbm>>, %arg6: memref<32768x1024xf32, #tpu.memory_space<hbm>>, %arg7: memref<1024xi32, #tpu.memory_space<vmem>>, %arg8: memref<3072xf32, #tpu.memory_space<vmem>>, %arg9: memref<3072xf32, #tpu.memory_space<vmem>>, %arg10: memref<1024xf32, #tpu.memory_space<vmem>>, %arg11: memref<1024xf32, #tpu.memory_space<vmem>>, %arg12: memref<!tpu.dma_semaphore, #tpu.memory_space<semaphore_mem>>, %arg13: memref<!tpu.dma_semaphore, #tpu.memory_space<semaphore_mem>>) attributes {dimension_semantics = [#tpu.dimension_semantics<core_parallel>, #tpu.dimension_semantics<subcore_parallel>], iteration_bounds = array<i64: 2, 16>, scalar_prefetch = 0 : i64, scratch_operands = 7 : i64, tpu.core_type = #tpu.core_type<sc_vector_subcore>, window_params = [{transform_indices = #map}, {transform_indices = #map}, {transform_indices = #map}, {transform_indices = #map1}, {transform_indices = #map1}]} {
    %mul3A = arith.constant 2 : i32
    %mul3A_0 = arith.muli %arg1, %mul3A : i32
    %add3A = arith.addi %mul3A_0, %arg0 : i32
    %mul3A_1 = arith.constant 1024 : i32
    %mul3A_2 = arith.muli %add3A, %mul3A_1 : i32
    %jit3A = arith.constant 8 : i32
    %div3A = arith.divsi %add3A, %jit3A : i32
    %sign3A = arith.constant 0 : i32
    %sign3A_3 = arith.cmpi sgt, %add3A, %sign3A : i32
    %sign3A_4 = arith.extui %sign3A_3 : i1 to i32
    %sign3A_5 = arith.constant 0 : i32
    %sign3A_6 = arith.cmpi slt, %add3A, %sign3A_5 : i32
    %sign3A_7 = arith.extui %sign3A_6 : i1 to i32
    %sign3A_8 = arith.subi %sign3A_4, %sign3A_7 : i32
    %sign3A_9 = arith.constant 0 : i32
    %sign3A_10 = arith.cmpi sgt, %jit3A, %sign3A_9 : i32
    %sign3A_11 = arith.extui %sign3A_10 : i1 to i32
    %sign3A_12 = arith.constant 0 : i32
    %sign3A_13 = arith.cmpi slt, %jit3A, %sign3A_12 : i32
    %sign3A_14 = arith.extui %sign3A_13 : i1 to i32
    %sign3A_15 = arith.subi %sign3A_11, %sign3A_14 : i32
    %ne3A = arith.cmpi ne, %sign3A_8, %sign3A_15 : i32
    %rem3A = arith.remsi %add3A, %jit3A : i32
    %ne3A_16 = arith.constant 0 : i32
    %ne3A_17 = arith.cmpi ne, %rem3A, %ne3A_16 : i32
    %and3A = arith.andi %ne3A, %ne3A_17 : i1
    %sub3A = arith.constant 1 : i32
    %sub3A_18 = arith.subi %div3A, %sub3A : i32
    %select_n3A = arith.select %and3A, %sub3A_18, %div3A : i32
    %jit3A_19 = arith.constant 8 : i32
    %eq3A = arith.constant 0 : i32
    %eq3A_20 = arith.cmpi eq, %jit3A_19, %eq3A : i32
    %jit3A_21 = arith.constant 1 : i32
    %select_n3A_22 = arith.select %eq3A_20, %jit3A_21, %jit3A_19 : i32
    %rem3A_23 = arith.remsi %add3A, %select_n3A_22 : i32
    %ne3A_24 = arith.constant 0 : i32
    %ne3A_25 = arith.cmpi ne, %rem3A_23, %ne3A_24 : i32
    %lt3A = arith.constant 0 : i32
    %lt3A_26 = arith.cmpi slt, %rem3A_23, %lt3A : i32
    %lt3A_27 = arith.constant 0 : i32
    %lt3A_28 = arith.cmpi slt, %select_n3A_22, %lt3A_27 : i32
    %ne3A_29 = arith.xori %lt3A_26, %lt3A_28 : i1
    %and3A_30 = arith.andi %ne3A_29, %ne3A_25 : i1
    %add3A_31 = arith.addi %rem3A_23, %select_n3A_22 : i32
    %select_n3A_32 = arith.select %and3A_30, %add3A_31, %rem3A_23 : i32
    %mul3A_33 = arith.constant 1024 : i32
    %mul3A_34 = arith.muli %select_n3A_32, %mul3A_33 : i32
    %dma_start3A = tpu.memref_slice %arg5[%select_n3A, %mul3A_34] : memref<4x8192xi32, #tpu.memory_space<hbm>> -> memref<1x1024xi32, #tpu.memory_space<hbm>>
    %dma_start3A_35 = tpu.memref_squeeze %dma_start3A : memref<1x1024xi32, #tpu.memory_space<hbm>> -> memref<1024xi32, #tpu.memory_space<hbm>>
    %dma_start3A_36 = tpu.memref_slice %arg5[%select_n3A, %mul3A_34] : memref<4x8192xi32, #tpu.memory_space<hbm>> -> memref<1x1024xi32, #tpu.memory_space<hbm>>
    %dma_start3A_37 = tpu.memref_squeeze %dma_start3A_36 : memref<1x1024xi32, #tpu.memory_space<hbm>> -> memref<1024xi32, #tpu.memory_space<hbm>>
    tpu.enqueue_dma source(%dma_start3A_37 : memref<1024xi32, #tpu.memory_space<hbm>>) target(%arg7 : memref<1024xi32, #tpu.memory_space<vmem>>) target_semaphore(%arg13 : memref<!tpu.dma_semaphore, #tpu.memory_space<semaphore_mem>>)
    "tpu.region"() ({
      %run_scoped3A = tpu.sem_alloc : memref<!tpu.dma_semaphore, #tpu.memory_space<semaphore_mem>>
      tpu.enqueue_dma source(%arg2 : memref<3072xf32, #tpu.memory_space<hbm>>) target(%arg8 : memref<3072xf32, #tpu.memory_space<vmem>>) target_semaphore(%run_scoped3A : memref<!tpu.dma_semaphore, #tpu.memory_space<semaphore_mem>>)
      tpu.wait_dma2 semaphore(%run_scoped3A : memref<!tpu.dma_semaphore, #tpu.memory_space<semaphore_mem>>) src(%arg2 : memref<3072xf32, #tpu.memory_space<hbm>>) dst(%arg8 : memref<3072xf32, #tpu.memory_space<vmem>>)
      tpu.yield
    }) : () -> ()
    "tpu.region"() ({
      %run_scoped3A = tpu.sem_alloc : memref<!tpu.dma_semaphore, #tpu.memory_space<semaphore_mem>>
      tpu.enqueue_dma source(%arg3 : memref<1024xf32, #tpu.memory_space<hbm>>) target(%arg10 : memref<1024xf32, #tpu.memory_space<vmem>>) target_semaphore(%run_scoped3A : memref<!tpu.dma_semaphore, #tpu.memory_space<semaphore_mem>>)
      tpu.wait_dma2 semaphore(%run_scoped3A : memref<!tpu.dma_semaphore, #tpu.memory_space<semaphore_mem>>) src(%arg3 : memref<1024xf32, #tpu.memory_space<hbm>>) dst(%arg10 : memref<1024xf32, #tpu.memory_space<vmem>>)
      tpu.yield
    }) : () -> ()
    "tpu.region"() ({
      %run_scoped3A = tpu.sem_alloc : memref<!tpu.dma_semaphore, #tpu.memory_space<semaphore_mem>>
      tpu.enqueue_dma source(%arg4 : memref<1024xf32, #tpu.memory_space<hbm>>) target(%arg11 : memref<1024xf32, #tpu.memory_space<vmem>>) target_semaphore(%run_scoped3A : memref<!tpu.dma_semaphore, #tpu.memory_space<semaphore_mem>>)
      tpu.wait_dma2 semaphore(%run_scoped3A : memref<!tpu.dma_semaphore, #tpu.memory_space<semaphore_mem>>) src(%arg4 : memref<1024xf32, #tpu.memory_space<hbm>>) dst(%arg11 : memref<1024xf32, #tpu.memory_space<vmem>>)
      tpu.yield
    }) : () -> ()
    %broadcast_in_dim3A = arith.constant 0.000000e+00 : f32
    %broadcast_in_dim3A_38 = vector.broadcast %broadcast_in_dim3A : f32 to vector<16xf32>
    %scan3A = arith.constant 0 : i32
    %scan3A_39 = arith.constant 64 : i32
    %scan3A_40 = arith.addi %scan3A, %scan3A_39 : i32
    %scan3A_41 = arith.constant 1 : i32
    %scan3A_42:2 = scf.for %scan3A_667 = %scan3A to %scan3A_40 step %scan3A_41 iter_args(%scan3A_668 = %broadcast_in_dim3A_38, %scan3A_669 = %broadcast_in_dim3A_38) -> (vector<16xf32>, vector<16xf32>)  : i32 {
      %mul3A_670 = arith.constant 16 : i32
      %mul3A_671 = arith.muli %scan3A_667, %mul3A_670 : i32
      %add3A_672 = arith.constant 0 : i32
      %add3A_673 = arith.addi %add3A_672, %mul3A_671 : i32
      %multiple_of3A = tpu.assume_multiple %add3A_673, 8 : i32
      %get3A = arith.index_cast %multiple_of3A : i32 to index
      %get3A_674 = tpu.vector_load %arg8[%get3A] {strides = array<i32>} : memref<3072xf32, #tpu.memory_space<vmem>>, vector<16xf32>,
      %get3A_675 = vector.shape_cast %get3A_674 : vector<16xf32> to vector<16xf32>
      %add3A_676 = arith.addf %scan3A_668, %get3A_675 : vector<16xf32>
      %mul3A_677 = arith.mulf %get3A_675, %get3A_675 : vector<16xf32>
      %add3A_678 = arith.addf %scan3A_669, %mul3A_677 : vector<16xf32>
      scf.yield %add3A_676, %add3A_678 : vector<16xf32>, vector<16xf32>
    }
    %scan3A_43 = arith.constant 64 : i32
    %slice3A = vector.extract_strided_slice %scan3A_42#0 {offsets = [0], sizes = [1], strides = [1]} : vector<16xf32> to vector<1xf32>
    %squeeze3A = vector.extract %slice3A[0] : f32 from vector<1xf32>
    %add3A_44 = arith.constant 0.000000e+00 : f32
    %add3A_45 = arith.addf %add3A_44, %squeeze3A : f32
    %slice3A_46 = vector.extract_strided_slice %scan3A_42#0 {offsets = [1], sizes = [1], strides = [1]} : vector<16xf32> to vector<1xf32>
    %squeeze3A_47 = vector.extract %slice3A_46[0] : f32 from vector<1xf32>
    %add3A_48 = arith.addf %add3A_45, %squeeze3A_47 : f32
    %slice3A_49 = vector.extract_strided_slice %scan3A_42#0 {offsets = [2], sizes = [1], strides = [1]} : vector<16xf32> to vector<1xf32>
    %squeeze3A_50 = vector.extract %slice3A_49[0] : f32 from vector<1xf32>
    %add3A_51 = arith.addf %add3A_48, %squeeze3A_50 : f32
    %slice3A_52 = vector.extract_strided_slice %scan3A_42#0 {offsets = [3], sizes = [1], strides = [1]} : vector<16xf32> to vector<1xf32>
    %squeeze3A_53 = vector.extract %slice3A_52[0] : f32 from vector<1xf32>
    %add3A_54 = arith.addf %add3A_51, %squeeze3A_53 : f32
    %slice3A_55 = vector.extract_strided_slice %scan3A_42#0 {offsets = [4], sizes = [1], strides = [1]} : vector<16xf32> to vector<1xf32>
    %squeeze3A_56 = vector.extract %slice3A_55[0] : f32 from vector<1xf32>
    %add3A_57 = arith.addf %add3A_54, %squeeze3A_56 : f32
    %slice3A_58 = vector.extract_strided_slice %scan3A_42#0 {offsets = [5], sizes = [1], strides = [1]} : vector<16xf32> to vector<1xf32>
    %squeeze3A_59 = vector.extract %slice3A_58[0] : f32 from vector<1xf32>
    %add3A_60 = arith.addf %add3A_57, %squeeze3A_59 : f32
    %slice3A_61 = vector.extract_strided_slice %scan3A_42#0 {offsets = [6], sizes = [1], strides = [1]} : vector<16xf32> to vector<1xf32>
    %squeeze3A_62 = vector.extract %slice3A_61[0] : f32 from vector<1xf32>
    %add3A_63 = arith.addf %add3A_60, %squeeze3A_62 : f32
    %slice3A_64 = vector.extract_strided_slice %scan3A_42#0 {offsets = [7], sizes = [1], strides = [1]} : vector<16xf32> to vector<1xf32>
    %squeeze3A_65 = vector.extract %slice3A_64[0] : f32 from vector<1xf32>
    %add3A_66 = arith.addf %add3A_63, %squeeze3A_65 : f32
    %slice3A_67 = vector.extract_strided_slice %scan3A_42#0 {offsets = [8], sizes = [1], strides = [1]} : vector<16xf32> to vector<1xf32>
    %squeeze3A_68 = vector.extract %slice3A_67[0] : f32 from vector<1xf32>
    %add3A_69 = arith.addf %add3A_66, %squeeze3A_68 : f32
    %slice3A_70 = vector.extract_strided_slice %scan3A_42#0 {offsets = [9], sizes = [1], strides = [1]} : vector<16xf32> to vector<1xf32>
    %squeeze3A_71 = vector.extract %slice3A_70[0] : f32 from vector<1xf32>
    %add3A_72 = arith.addf %add3A_69, %squeeze3A_71 : f32
    %slice3A_73 = vector.extract_strided_slice %scan3A_42#0 {offsets = [10], sizes = [1], strides = [1]} : vector<16xf32> to vector<1xf32>
    %squeeze3A_74 = vector.extract %slice3A_73[0] : f32 from vector<1xf32>
    %add3A_75 = arith.addf %add3A_72, %squeeze3A_74 : f32
    %slice3A_76 = vector.extract_strided_slice %scan3A_42#0 {offsets = [11], sizes = [1], strides = [1]} : vector<16xf32> to vector<1xf32>
    %squeeze3A_77 = vector.extract %slice3A_76[0] : f32 from vector<1xf32>
    %add3A_78 = arith.addf %add3A_75, %squeeze3A_77 : f32
    %slice3A_79 = vector.extract_strided_slice %scan3A_42#0 {offsets = [12], sizes = [1], strides = [1]} : vector<16xf32> to vector<1xf32>
    %squeeze3A_80 = vector.extract %slice3A_79[0] : f32 from vector<1xf32>
    %add3A_81 = arith.addf %add3A_78, %squeeze3A_80 : f32
    %slice3A_82 = vector.extract_strided_slice %scan3A_42#0 {offsets = [13], sizes = [1], strides = [1]} : vector<16xf32> to vector<1xf32>
    %squeeze3A_83 = vector.extract %slice3A_82[0] : f32 from vector<1xf32>
    %add3A_84 = arith.addf %add3A_81, %squeeze3A_83 : f32
    %slice3A_85 = vector.extract_strided_slice %scan3A_42#0 {offsets = [14], sizes = [1], strides = [1]} : vector<16xf32> to vector<1xf32>
    %squeeze3A_86 = vector.extract %slice3A_85[0] : f32 from vector<1xf32>
    %add3A_87 = arith.addf %add3A_84, %squeeze3A_86 : f32
    %slice3A_88 = vector.extract_strided_slice %scan3A_42#0 {offsets = [15], sizes = [1], strides = [1]} : vector<16xf32> to vector<1xf32>
    %squeeze3A_89 = vector.extract %slice3A_88[0] : f32 from vector<1xf32>
    %add3A_90 = arith.addf %add3A_87, %squeeze3A_89 : f32
    %mul3A_91 = arith.constant 9.765625E-4 : f32
    %mul3A_92 = arith.mulf %add3A_90, %mul3A_91 : f32
    %slice3A_93 = vector.extract_strided_slice %scan3A_42#1 {offsets = [0], sizes = [1], strides = [1]} : vector<16xf32> to vector<1xf32>
    %squeeze3A_94 = vector.extract %slice3A_93[0] : f32 from vector<1xf32>
    %add3A_95 = arith.constant 0.000000e+00 : f32
    %add3A_96 = arith.addf %add3A_95, %squeeze3A_94 : f32
    %slice3A_97 = vector.extract_strided_slice %scan3A_42#1 {offsets = [1], sizes = [1], strides = [1]} : vector<16xf32> to vector<1xf32>
    %squeeze3A_98 = vector.extract %slice3A_97[0] : f32 from vector<1xf32>
    %add3A_99 = arith.addf %add3A_96, %squeeze3A_98 : f32
    %slice3A_100 = vector.extract_strided_slice %scan3A_42#1 {offsets = [2], sizes = [1], strides = [1]} : vector<16xf32> to vector<1xf32>
    %squeeze3A_101 = vector.extract %slice3A_100[0] : f32 from vector<1xf32>
    %add3A_102 = arith.addf %add3A_99, %squeeze3A_101 : f32
    %slice3A_103 = vector.extract_strided_slice %scan3A_42#1 {offsets = [3], sizes = [1], strides = [1]} : vector<16xf32> to vector<1xf32>
    %squeeze3A_104 = vector.extract %slice3A_103[0] : f32 from vector<1xf32>
    %add3A_105 = arith.addf %add3A_102, %squeeze3A_104 : f32
    %slice3A_106 = vector.extract_strided_slice %scan3A_42#1 {offsets = [4], sizes = [1], strides = [1]} : vector<16xf32> to vector<1xf32>
    %squeeze3A_107 = vector.extract %slice3A_106[0] : f32 from vector<1xf32>
    %add3A_108 = arith.addf %add3A_105, %squeeze3A_107 : f32
    %slice3A_109 = vector.extract_strided_slice %scan3A_42#1 {offsets = [5], sizes = [1], strides = [1]} : vector<16xf32> to vector<1xf32>
    %squeeze3A_110 = vector.extract %slice3A_109[0] : f32 from vector<1xf32>
    %add3A_111 = arith.addf %add3A_108, %squeeze3A_110 : f32
    %slice3A_112 = vector.extract_strided_slice %scan3A_42#1 {offsets = [6], sizes = [1], strides = [1]} : vector<16xf32> to vector<1xf32>
    %squeeze3A_113 = vector.extract %slice3A_112[0] : f32 from vector<1xf32>
    %add3A_114 = arith.addf %add3A_111, %squeeze3A_113 : f32
    %slice3A_115 = vector.extract_strided_slice %scan3A_42#1 {offsets = [7], sizes = [1], strides = [1]} : vector<16xf32> to vector<1xf32>
    %squeeze3A_116 = vector.extract %slice3A_115[0] : f32 from vector<1xf32>
    %add3A_117 = arith.addf %add3A_114, %squeeze3A_116 : f32
    %slice3A_118 = vector.extract_strided_slice %scan3A_42#1 {offsets = [8], sizes = [1], strides = [1]} : vector<16xf32> to vector<1xf32>
    %squeeze3A_119 = vector.extract %slice3A_118[0] : f32 from vector<1xf32>
    %add3A_120 = arith.addf %add3A_117, %squeeze3A_119 : f32
    %slice3A_121 = vector.extract_strided_slice %scan3A_42#1 {offsets = [9], sizes = [1], strides = [1]} : vector<16xf32> to vector<1xf32>
    %squeeze3A_122 = vector.extract %slice3A_121[0] : f32 from vector<1xf32>
    %add3A_123 = arith.addf %add3A_120, %squeeze3A_122 : f32
    %slice3A_124 = vector.extract_strided_slice %scan3A_42#1 {offsets = [10], sizes = [1], strides = [1]} : vector<16xf32> to vector<1xf32>
    %squeeze3A_125 = vector.extract %slice3A_124[0] : f32 from vector<1xf32>
    %add3A_126 = arith.addf %add3A_123, %squeeze3A_125 : f32
    %slice3A_127 = vector.extract_strided_slice %scan3A_42#1 {offsets = [11], sizes = [1], strides = [1]} : vector<16xf32> to vector<1xf32>
    %squeeze3A_128 = vector.extract %slice3A_127[0] : f32 from vector<1xf32>
    %add3A_129 = arith.addf %add3A_126, %squeeze3A_128 : f32
    %slice3A_130 = vector.extract_strided_slice %scan3A_42#1 {offsets = [12], sizes = [1], strides = [1]} : vector<16xf32> to vector<1xf32>
    %squeeze3A_131 = vector.extract %slice3A_130[0] : f32 from vector<1xf32>
    %add3A_132 = arith.addf %add3A_129, %squeeze3A_131 : f32
    %slice3A_133 = vector.extract_strided_slice %scan3A_42#1 {offsets = [13], sizes = [1], strides = [1]} : vector<16xf32> to vector<1xf32>
    %squeeze3A_134 = vector.extract %slice3A_133[0] : f32 from vector<1xf32>
    %add3A_135 = arith.addf %add3A_132, %squeeze3A_134 : f32
    %slice3A_136 = vector.extract_strided_slice %scan3A_42#1 {offsets = [14], sizes = [1], strides = [1]} : vector<16xf32> to vector<1xf32>
    %squeeze3A_137 = vector.extract %slice3A_136[0] : f32 from vector<1xf32>
    %add3A_138 = arith.addf %add3A_135, %squeeze3A_137 : f32
    %slice3A_139 = vector.extract_strided_slice %scan3A_42#1 {offsets = [15], sizes = [1], strides = [1]} : vector<16xf32> to vector<1xf32>
    %squeeze3A_140 = vector.extract %slice3A_139[0] : f32 from vector<1xf32>
    %add3A_141 = arith.addf %add3A_138, %squeeze3A_140 : f32
    %mul3A_142 = arith.constant 9.765625E-4 : f32
    %mul3A_143 = arith.mulf %add3A_141, %mul3A_142 : f32
    %mul3A_144 = arith.mulf %mul3A_92, %mul3A_92 : f32
    %sub3A_145 = arith.subf %mul3A_143, %mul3A_144 : f32
    %add3A_146 = arith.constant 9.99999996E-13 : f32
    %add3A_147 = arith.addf %sub3A_145, %add3A_146 : f32
    %broadcast_in_dim3A_148 = vector.broadcast %add3A_147 : f32 to vector<16xf32>
    %broadcast_in_dim3A_149 = arith.constant 1.000000e+00 : f32
    %broadcast_in_dim3A_150 = vector.broadcast %broadcast_in_dim3A_149 : f32 to vector<16xf32>
    %div3A_151 = arith.divf %broadcast_in_dim3A_148, %broadcast_in_dim3A_150 : vector<16xf32>
    %add3A_152 = arith.addf %broadcast_in_dim3A_150, %div3A_151 : vector<16xf32>
    %mul3A_153 = arith.constant 5.000000e-01 : f32
    %mul3A_154 = vector.broadcast %mul3A_153 : f32 to vector<16xf32>
    %mul3A_155 = arith.mulf %mul3A_154, %add3A_152 : vector<16xf32>
    %div3A_156 = arith.divf %broadcast_in_dim3A_148, %mul3A_155 : vector<16xf32>
    %add3A_157 = arith.addf %mul3A_155, %div3A_156 : vector<16xf32>
    %mul3A_158 = arith.constant 5.000000e-01 : f32
    %mul3A_159 = vector.broadcast %mul3A_158 : f32 to vector<16xf32>
    %mul3A_160 = arith.mulf %mul3A_159, %add3A_157 : vector<16xf32>
    %div3A_161 = arith.divf %broadcast_in_dim3A_148, %mul3A_160 : vector<16xf32>
    %add3A_162 = arith.addf %mul3A_160, %div3A_161 : vector<16xf32>
    %mul3A_163 = arith.constant 5.000000e-01 : f32
    %mul3A_164 = vector.broadcast %mul3A_163 : f32 to vector<16xf32>
    %mul3A_165 = arith.mulf %mul3A_164, %add3A_162 : vector<16xf32>
    %div3A_166 = arith.divf %broadcast_in_dim3A_148, %mul3A_165 : vector<16xf32>
    %add3A_167 = arith.addf %mul3A_165, %div3A_166 : vector<16xf32>
    %mul3A_168 = arith.constant 5.000000e-01 : f32
    %mul3A_169 = vector.broadcast %mul3A_168 : f32 to vector<16xf32>
    %mul3A_170 = arith.mulf %mul3A_169, %add3A_167 : vector<16xf32>
    %div3A_171 = arith.divf %broadcast_in_dim3A_148, %mul3A_170 : vector<16xf32>
    %add3A_172 = arith.addf %mul3A_170, %div3A_171 : vector<16xf32>
    %mul3A_173 = arith.constant 5.000000e-01 : f32
    %mul3A_174 = vector.broadcast %mul3A_173 : f32 to vector<16xf32>
    %mul3A_175 = arith.mulf %mul3A_174, %add3A_172 : vector<16xf32>
    %div3A_176 = arith.divf %broadcast_in_dim3A_148, %mul3A_175 : vector<16xf32>
    %add3A_177 = arith.addf %mul3A_175, %div3A_176 : vector<16xf32>
    %mul3A_178 = arith.constant 5.000000e-01 : f32
    %mul3A_179 = vector.broadcast %mul3A_178 : f32 to vector<16xf32>
    %mul3A_180 = arith.mulf %mul3A_179, %add3A_177 : vector<16xf32>
    %div3A_181 = arith.divf %broadcast_in_dim3A_148, %mul3A_180 : vector<16xf32>
    %add3A_182 = arith.addf %mul3A_180, %div3A_181 : vector<16xf32>
    %mul3A_183 = arith.constant 5.000000e-01 : f32
    %mul3A_184 = vector.broadcast %mul3A_183 : f32 to vector<16xf32>
    %mul3A_185 = arith.mulf %mul3A_184, %add3A_182 : vector<16xf32>
    %div3A_186 = arith.divf %broadcast_in_dim3A_148, %mul3A_185 : vector<16xf32>
    %add3A_187 = arith.addf %mul3A_185, %div3A_186 : vector<16xf32>
    %mul3A_188 = arith.constant 5.000000e-01 : f32
    %mul3A_189 = vector.broadcast %mul3A_188 : f32 to vector<16xf32>
    %mul3A_190 = arith.mulf %mul3A_189, %add3A_187 : vector<16xf32>
    %div3A_191 = arith.divf %broadcast_in_dim3A_148, %mul3A_190 : vector<16xf32>
    %add3A_192 = arith.addf %mul3A_190, %div3A_191 : vector<16xf32>
    %mul3A_193 = arith.constant 5.000000e-01 : f32
    %mul3A_194 = vector.broadcast %mul3A_193 : f32 to vector<16xf32>
    %mul3A_195 = arith.mulf %mul3A_194, %add3A_192 : vector<16xf32>
    %div3A_196 = arith.divf %broadcast_in_dim3A_148, %mul3A_195 : vector<16xf32>
    %add3A_197 = arith.addf %mul3A_195, %div3A_196 : vector<16xf32>
    %mul3A_198 = arith.constant 5.000000e-01 : f32
    %mul3A_199 = vector.broadcast %mul3A_198 : f32 to vector<16xf32>
    %mul3A_200 = arith.mulf %mul3A_199, %add3A_197 : vector<16xf32>
    %div3A_201 = arith.divf %broadcast_in_dim3A_148, %mul3A_200 : vector<16xf32>
    %add3A_202 = arith.addf %mul3A_200, %div3A_201 : vector<16xf32>
    %mul3A_203 = arith.constant 5.000000e-01 : f32
    %mul3A_204 = vector.broadcast %mul3A_203 : f32 to vector<16xf32>
    %mul3A_205 = arith.mulf %mul3A_204, %add3A_202 : vector<16xf32>
    %div3A_206 = arith.divf %broadcast_in_dim3A_148, %mul3A_205 : vector<16xf32>
    %add3A_207 = arith.addf %mul3A_205, %div3A_206 : vector<16xf32>
    %mul3A_208 = arith.constant 5.000000e-01 : f32
    %mul3A_209 = vector.broadcast %mul3A_208 : f32 to vector<16xf32>
    %mul3A_210 = arith.mulf %mul3A_209, %add3A_207 : vector<16xf32>
    %div3A_211 = arith.divf %broadcast_in_dim3A_148, %mul3A_210 : vector<16xf32>
    %add3A_212 = arith.addf %mul3A_210, %div3A_211 : vector<16xf32>
    %mul3A_213 = arith.constant 5.000000e-01 : f32
    %mul3A_214 = vector.broadcast %mul3A_213 : f32 to vector<16xf32>
    %mul3A_215 = arith.mulf %mul3A_214, %add3A_212 : vector<16xf32>
    %div3A_216 = arith.divf %broadcast_in_dim3A_148, %mul3A_215 : vector<16xf32>
    %add3A_217 = arith.addf %mul3A_215, %div3A_216 : vector<16xf32>
    %mul3A_218 = arith.constant 5.000000e-01 : f32
    %mul3A_219 = vector.broadcast %mul3A_218 : f32 to vector<16xf32>
    %mul3A_220 = arith.mulf %mul3A_219, %add3A_217 : vector<16xf32>
    %div3A_221 = arith.divf %broadcast_in_dim3A_148, %mul3A_220 : vector<16xf32>
    %add3A_222 = arith.addf %mul3A_220, %div3A_221 : vector<16xf32>
    %mul3A_223 = arith.constant 5.000000e-01 : f32
    %mul3A_224 = vector.broadcast %mul3A_223 : f32 to vector<16xf32>
    %mul3A_225 = arith.mulf %mul3A_224, %add3A_222 : vector<16xf32>
    %div3A_226 = arith.divf %broadcast_in_dim3A_148, %mul3A_225 : vector<16xf32>
    %add3A_227 = arith.addf %mul3A_225, %div3A_226 : vector<16xf32>
    %mul3A_228 = arith.constant 5.000000e-01 : f32
    %mul3A_229 = vector.broadcast %mul3A_228 : f32 to vector<16xf32>
    %mul3A_230 = arith.mulf %mul3A_229, %add3A_227 : vector<16xf32>
    %div3A_231 = arith.constant 1.000000e+00 : f32
    %div3A_232 = vector.broadcast %div3A_231 : f32 to vector<16xf32>
    %div3A_233 = arith.divf %div3A_232, %mul3A_230 : vector<16xf32>
    %scan3A_234 = arith.constant 0 : i32
    %scan3A_235 = arith.constant 0 : i32
    %scan3A_236 = arith.constant 64 : i32
    %scan3A_237 = arith.addi %scan3A_235, %scan3A_236 : i32
    %scan3A_238 = arith.constant 1 : i32
    scf.for %scan3A_667 = %scan3A_235 to %scan3A_237 step %scan3A_238  : i32 {
      %mul3A_668 = arith.constant 16 : i32
      %mul3A_669 = arith.muli %scan3A_667, %mul3A_668 : i32
      %add3A_670 = arith.constant 0 : i32
      %add3A_671 = arith.addi %add3A_670, %mul3A_669 : i32
      %multiple_of3A = tpu.assume_multiple %add3A_671, 8 : i32
      %mul3A_672 = arith.constant 16 : i32
      %mul3A_673 = arith.muli %scan3A_667, %mul3A_672 : i32
      %multiple_of3A_674 = tpu.assume_multiple %mul3A_673, 8 : i32
      %get3A = arith.index_cast %multiple_of3A : i32 to index
      %get3A_675 = tpu.vector_load %arg8[%get3A] {strides = array<i32>} : memref<3072xf32, #tpu.memory_space<vmem>>, vector<16xf32>,
      %get3A_676 = vector.shape_cast %get3A_675 : vector<16xf32> to vector<16xf32>
      %sub3A_677 = vector.broadcast %mul3A_92 : f32 to vector<16xf32>
      %sub3A_678 = arith.subf %get3A_676, %sub3A_677 : vector<16xf32>
      %mul3A_679 = arith.mulf %sub3A_678, %div3A_233 : vector<16xf32>
      %get3A_680 = arith.index_cast %multiple_of3A_674 : i32 to index
      %get3A_681 = tpu.vector_load %arg10[%get3A_680] {strides = array<i32>} : memref<1024xf32, #tpu.memory_space<vmem>>, vector<16xf32>,
      %get3A_682 = vector.shape_cast %get3A_681 : vector<16xf32> to vector<16xf32>
      %mul3A_683 = arith.mulf %mul3A_679, %get3A_682 : vector<16xf32>
      %get3A_684 = arith.index_cast %multiple_of3A_674 : i32 to index
      %get3A_685 = tpu.vector_load %arg11[%get3A_684] {strides = array<i32>} : memref<1024xf32, #tpu.memory_space<vmem>>, vector<16xf32>,
      %get3A_686 = vector.shape_cast %get3A_685 : vector<16xf32> to vector<16xf32>
      %add3A_687 = arith.addf %mul3A_683, %get3A_686 : vector<16xf32>
      %swap3A = arith.index_cast %multiple_of3A : i32 to index
      %swap3A_688 = tpu.vector_load %arg9[%swap3A] {strides = array<i32>} : memref<3072xf32, #tpu.memory_space<vmem>>, vector<16xf32>,
      %swap3A_689 = vector.shape_cast %swap3A_688 : vector<16xf32> to vector<16xf32>
      %swap3A_690 = vector.shape_cast %add3A_687 : vector<16xf32> to vector<16xf32>
      tpu.vector_store %arg9[%swap3A], %swap3A_690 {strides = array<i32>} : memref<3072xf32, #tpu.memory_space<vmem>>, vector<16xf32>,
    }
    %scan3A_239 = arith.constant 64 : i32
    %broadcast_in_dim3A_240 = arith.constant 0.000000e+00 : f32
    %broadcast_in_dim3A_241 = vector.broadcast %broadcast_in_dim3A_240 : f32 to vector<16xf32>
    %scan3A_242 = arith.constant 0 : i32
    %scan3A_243 = arith.constant 64 : i32
    %scan3A_244 = arith.addi %scan3A_242, %scan3A_243 : i32
    %scan3A_245 = arith.constant 1 : i32
    %scan3A_246:2 = scf.for %scan3A_667 = %scan3A_242 to %scan3A_244 step %scan3A_245 iter_args(%scan3A_668 = %broadcast_in_dim3A_241, %scan3A_669 = %broadcast_in_dim3A_241) -> (vector<16xf32>, vector<16xf32>)  : i32 {
      %mul3A_670 = arith.constant 16 : i32
      %mul3A_671 = arith.muli %scan3A_667, %mul3A_670 : i32
      %add3A_672 = arith.constant 1024 : i32
      %add3A_673 = arith.addi %add3A_672, %mul3A_671 : i32
      %multiple_of3A = tpu.assume_multiple %add3A_673, 8 : i32
      %get3A = arith.index_cast %multiple_of3A : i32 to index
      %get3A_674 = tpu.vector_load %arg8[%get3A] {strides = array<i32>} : memref<3072xf32, #tpu.memory_space<vmem>>, vector<16xf32>,
      %get3A_675 = vector.shape_cast %get3A_674 : vector<16xf32> to vector<16xf32>
      %add3A_676 = arith.addf %scan3A_668, %get3A_675 : vector<16xf32>
      %mul3A_677 = arith.mulf %get3A_675, %get3A_675 : vector<16xf32>
      %add3A_678 = arith.addf %scan3A_669, %mul3A_677 : vector<16xf32>
      scf.yield %add3A_676, %add3A_678 : vector<16xf32>, vector<16xf32>
    }
    %scan3A_247 = arith.constant 64 : i32
    %slice3A_248 = vector.extract_strided_slice %scan3A_246#0 {offsets = [0], sizes = [1], strides = [1]} : vector<16xf32> to vector<1xf32>
    %squeeze3A_249 = vector.extract %slice3A_248[0] : f32 from vector<1xf32>
    %add3A_250 = arith.constant 0.000000e+00 : f32
    %add3A_251 = arith.addf %add3A_250, %squeeze3A_249 : f32
    %slice3A_252 = vector.extract_strided_slice %scan3A_246#0 {offsets = [1], sizes = [1], strides = [1]} : vector<16xf32> to vector<1xf32>
    %squeeze3A_253 = vector.extract %slice3A_252[0] : f32 from vector<1xf32>
    %add3A_254 = arith.addf %add3A_251, %squeeze3A_253 : f32
    %slice3A_255 = vector.extract_strided_slice %scan3A_246#0 {offsets = [2], sizes = [1], strides = [1]} : vector<16xf32> to vector<1xf32>
    %squeeze3A_256 = vector.extract %slice3A_255[0] : f32 from vector<1xf32>
    %add3A_257 = arith.addf %add3A_254, %squeeze3A_256 : f32
    %slice3A_258 = vector.extract_strided_slice %scan3A_246#0 {offsets = [3], sizes = [1], strides = [1]} : vector<16xf32> to vector<1xf32>
    %squeeze3A_259 = vector.extract %slice3A_258[0] : f32 from vector<1xf32>
    %add3A_260 = arith.addf %add3A_257, %squeeze3A_259 : f32
    %slice3A_261 = vector.extract_strided_slice %scan3A_246#0 {offsets = [4], sizes = [1], strides = [1]} : vector<16xf32> to vector<1xf32>
    %squeeze3A_262 = vector.extract %slice3A_261[0] : f32 from vector<1xf32>
    %add3A_263 = arith.addf %add3A_260, %squeeze3A_262 : f32
    %slice3A_264 = vector.extract_strided_slice %scan3A_246#0 {offsets = [5], sizes = [1], strides = [1]} : vector<16xf32> to vector<1xf32>
    %squeeze3A_265 = vector.extract %slice3A_264[0] : f32 from vector<1xf32>
    %add3A_266 = arith.addf %add3A_263, %squeeze3A_265 : f32
    %slice3A_267 = vector.extract_strided_slice %scan3A_246#0 {offsets = [6], sizes = [1], strides = [1]} : vector<16xf32> to vector<1xf32>
    %squeeze3A_268 = vector.extract %slice3A_267[0] : f32 from vector<1xf32>
    %add3A_269 = arith.addf %add3A_266, %squeeze3A_268 : f32
    %slice3A_270 = vector.extract_strided_slice %scan3A_246#0 {offsets = [7], sizes = [1], strides = [1]} : vector<16xf32> to vector<1xf32>
    %squeeze3A_271 = vector.extract %slice3A_270[0] : f32 from vector<1xf32>
    %add3A_272 = arith.addf %add3A_269, %squeeze3A_271 : f32
    %slice3A_273 = vector.extract_strided_slice %scan3A_246#0 {offsets = [8], sizes = [1], strides = [1]} : vector<16xf32> to vector<1xf32>
    %squeeze3A_274 = vector.extract %slice3A_273[0] : f32 from vector<1xf32>
    %add3A_275 = arith.addf %add3A_272, %squeeze3A_274 : f32
    %slice3A_276 = vector.extract_strided_slice %scan3A_246#0 {offsets = [9], sizes = [1], strides = [1]} : vector<16xf32> to vector<1xf32>
    %squeeze3A_277 = vector.extract %slice3A_276[0] : f32 from vector<1xf32>
    %add3A_278 = arith.addf %add3A_275, %squeeze3A_277 : f32
    %slice3A_279 = vector.extract_strided_slice %scan3A_246#0 {offsets = [10], sizes = [1], strides = [1]} : vector<16xf32> to vector<1xf32>
    %squeeze3A_280 = vector.extract %slice3A_279[0] : f32 from vector<1xf32>
    %add3A_281 = arith.addf %add3A_278, %squeeze3A_280 : f32
    %slice3A_282 = vector.extract_strided_slice %scan3A_246#0 {offsets = [11], sizes = [1], strides = [1]} : vector<16xf32> to vector<1xf32>
    %squeeze3A_283 = vector.extract %slice3A_282[0] : f32 from vector<1xf32>
    %add3A_284 = arith.addf %add3A_281, %squeeze3A_283 : f32
    %slice3A_285 = vector.extract_strided_slice %scan3A_246#0 {offsets = [12], sizes = [1], strides = [1]} : vector<16xf32> to vector<1xf32>
    %squeeze3A_286 = vector.extract %slice3A_285[0] : f32 from vector<1xf32>
    %add3A_287 = arith.addf %add3A_284, %squeeze3A_286 : f32
    %slice3A_288 = vector.extract_strided_slice %scan3A_246#0 {offsets = [13], sizes = [1], strides = [1]} : vector<16xf32> to vector<1xf32>
    %squeeze3A_289 = vector.extract %slice3A_288[0] : f32 from vector<1xf32>
    %add3A_290 = arith.addf %add3A_287, %squeeze3A_289 : f32
    %slice3A_291 = vector.extract_strided_slice %scan3A_246#0 {offsets = [14], sizes = [1], strides = [1]} : vector<16xf32> to vector<1xf32>
    %squeeze3A_292 = vector.extract %slice3A_291[0] : f32 from vector<1xf32>
    %add3A_293 = arith.addf %add3A_290, %squeeze3A_292 : f32
    %slice3A_294 = vector.extract_strided_slice %scan3A_246#0 {offsets = [15], sizes = [1], strides = [1]} : vector<16xf32> to vector<1xf32>
    %squeeze3A_295 = vector.extract %slice3A_294[0] : f32 from vector<1xf32>
    %add3A_296 = arith.addf %add3A_293, %squeeze3A_295 : f32
    %mul3A_297 = arith.constant 9.765625E-4 : f32
    %mul3A_298 = arith.mulf %add3A_296, %mul3A_297 : f32
    %slice3A_299 = vector.extract_strided_slice %scan3A_246#1 {offsets = [0], sizes = [1], strides = [1]} : vector<16xf32> to vector<1xf32>
    %squeeze3A_300 = vector.extract %slice3A_299[0] : f32 from vector<1xf32>
    %add3A_301 = arith.constant 0.000000e+00 : f32
    %add3A_302 = arith.addf %add3A_301, %squeeze3A_300 : f32
    %slice3A_303 = vector.extract_strided_slice %scan3A_246#1 {offsets = [1], sizes = [1], strides = [1]} : vector<16xf32> to vector<1xf32>
    %squeeze3A_304 = vector.extract %slice3A_303[0] : f32 from vector<1xf32>
    %add3A_305 = arith.addf %add3A_302, %squeeze3A_304 : f32
    %slice3A_306 = vector.extract_strided_slice %scan3A_246#1 {offsets = [2], sizes = [1], strides = [1]} : vector<16xf32> to vector<1xf32>
    %squeeze3A_307 = vector.extract %slice3A_306[0] : f32 from vector<1xf32>
    %add3A_308 = arith.addf %add3A_305, %squeeze3A_307 : f32
    %slice3A_309 = vector.extract_strided_slice %scan3A_246#1 {offsets = [3], sizes = [1], strides = [1]} : vector<16xf32> to vector<1xf32>
    %squeeze3A_310 = vector.extract %slice3A_309[0] : f32 from vector<1xf32>
    %add3A_311 = arith.addf %add3A_308, %squeeze3A_310 : f32
    %slice3A_312 = vector.extract_strided_slice %scan3A_246#1 {offsets = [4], sizes = [1], strides = [1]} : vector<16xf32> to vector<1xf32>
    %squeeze3A_313 = vector.extract %slice3A_312[0] : f32 from vector<1xf32>
    %add3A_314 = arith.addf %add3A_311, %squeeze3A_313 : f32
    %slice3A_315 = vector.extract_strided_slice %scan3A_246#1 {offsets = [5], sizes = [1], strides = [1]} : vector<16xf32> to vector<1xf32>
    %squeeze3A_316 = vector.extract %slice3A_315[0] : f32 from vector<1xf32>
    %add3A_317 = arith.addf %add3A_314, %squeeze3A_316 : f32
    %slice3A_318 = vector.extract_strided_slice %scan3A_246#1 {offsets = [6], sizes = [1], strides = [1]} : vector<16xf32> to vector<1xf32>
    %squeeze3A_319 = vector.extract %slice3A_318[0] : f32 from vector<1xf32>
    %add3A_320 = arith.addf %add3A_317, %squeeze3A_319 : f32
    %slice3A_321 = vector.extract_strided_slice %scan3A_246#1 {offsets = [7], sizes = [1], strides = [1]} : vector<16xf32> to vector<1xf32>
    %squeeze3A_322 = vector.extract %slice3A_321[0] : f32 from vector<1xf32>
    %add3A_323 = arith.addf %add3A_320, %squeeze3A_322 : f32
    %slice3A_324 = vector.extract_strided_slice %scan3A_246#1 {offsets = [8], sizes = [1], strides = [1]} : vector<16xf32> to vector<1xf32>
    %squeeze3A_325 = vector.extract %slice3A_324[0] : f32 from vector<1xf32>
    %add3A_326 = arith.addf %add3A_323, %squeeze3A_325 : f32
    %slice3A_327 = vector.extract_strided_slice %scan3A_246#1 {offsets = [9], sizes = [1], strides = [1]} : vector<16xf32> to vector<1xf32>
    %squeeze3A_328 = vector.extract %slice3A_327[0] : f32 from vector<1xf32>
    %add3A_329 = arith.addf %add3A_326, %squeeze3A_328 : f32
    %slice3A_330 = vector.extract_strided_slice %scan3A_246#1 {offsets = [10], sizes = [1], strides = [1]} : vector<16xf32> to vector<1xf32>
    %squeeze3A_331 = vector.extract %slice3A_330[0] : f32 from vector<1xf32>
    %add3A_332 = arith.addf %add3A_329, %squeeze3A_331 : f32
    %slice3A_333 = vector.extract_strided_slice %scan3A_246#1 {offsets = [11], sizes = [1], strides = [1]} : vector<16xf32> to vector<1xf32>
    %squeeze3A_334 = vector.extract %slice3A_333[0] : f32 from vector<1xf32>
    %add3A_335 = arith.addf %add3A_332, %squeeze3A_334 : f32
    %slice3A_336 = vector.extract_strided_slice %scan3A_246#1 {offsets = [12], sizes = [1], strides = [1]} : vector<16xf32> to vector<1xf32>
    %squeeze3A_337 = vector.extract %slice3A_336[0] : f32 from vector<1xf32>
    %add3A_338 = arith.addf %add3A_335, %squeeze3A_337 : f32
    %slice3A_339 = vector.extract_strided_slice %scan3A_246#1 {offsets = [13], sizes = [1], strides = [1]} : vector<16xf32> to vector<1xf32>
    %squeeze3A_340 = vector.extract %slice3A_339[0] : f32 from vector<1xf32>
    %add3A_341 = arith.addf %add3A_338, %squeeze3A_340 : f32
    %slice3A_342 = vector.extract_strided_slice %scan3A_246#1 {offsets = [14], sizes = [1], strides = [1]} : vector<16xf32> to vector<1xf32>
    %squeeze3A_343 = vector.extract %slice3A_342[0] : f32 from vector<1xf32>
    %add3A_344 = arith.addf %add3A_341, %squeeze3A_343 : f32
    %slice3A_345 = vector.extract_strided_slice %scan3A_246#1 {offsets = [15], sizes = [1], strides = [1]} : vector<16xf32> to vector<1xf32>
    %squeeze3A_346 = vector.extract %slice3A_345[0] : f32 from vector<1xf32>
    %add3A_347 = arith.addf %add3A_344, %squeeze3A_346 : f32
    %mul3A_348 = arith.constant 9.765625E-4 : f32
    %mul3A_349 = arith.mulf %add3A_347, %mul3A_348 : f32
    %mul3A_350 = arith.mulf %mul3A_298, %mul3A_298 : f32
    %sub3A_351 = arith.subf %mul3A_349, %mul3A_350 : f32
    %add3A_352 = arith.constant 9.99999996E-13 : f32
    %add3A_353 = arith.addf %sub3A_351, %add3A_352 : f32
    %broadcast_in_dim3A_354 = vector.broadcast %add3A_353 : f32 to vector<16xf32>
    %broadcast_in_dim3A_355 = arith.constant 1.000000e+00 : f32
    %broadcast_in_dim3A_356 = vector.broadcast %broadcast_in_dim3A_355 : f32 to vector<16xf32>
    %div3A_357 = arith.divf %broadcast_in_dim3A_354, %broadcast_in_dim3A_356 : vector<16xf32>
    %add3A_358 = arith.addf %broadcast_in_dim3A_356, %div3A_357 : vector<16xf32>
    %mul3A_359 = arith.constant 5.000000e-01 : f32
    %mul3A_360 = vector.broadcast %mul3A_359 : f32 to vector<16xf32>
    %mul3A_361 = arith.mulf %mul3A_360, %add3A_358 : vector<16xf32>
    %div3A_362 = arith.divf %broadcast_in_dim3A_354, %mul3A_361 : vector<16xf32>
    %add3A_363 = arith.addf %mul3A_361, %div3A_362 : vector<16xf32>
    %mul3A_364 = arith.constant 5.000000e-01 : f32
    %mul3A_365 = vector.broadcast %mul3A_364 : f32 to vector<16xf32>
    %mul3A_366 = arith.mulf %mul3A_365, %add3A_363 : vector<16xf32>
    %div3A_367 = arith.divf %broadcast_in_dim3A_354, %mul3A_366 : vector<16xf32>
    %add3A_368 = arith.addf %mul3A_366, %div3A_367 : vector<16xf32>
    %mul3A_369 = arith.constant 5.000000e-01 : f32
    %mul3A_370 = vector.broadcast %mul3A_369 : f32 to vector<16xf32>
    %mul3A_371 = arith.mulf %mul3A_370, %add3A_368 : vector<16xf32>
    %div3A_372 = arith.divf %broadcast_in_dim3A_354, %mul3A_371 : vector<16xf32>
    %add3A_373 = arith.addf %mul3A_371, %div3A_372 : vector<16xf32>
    %mul3A_374 = arith.constant 5.000000e-01 : f32
    %mul3A_375 = vector.broadcast %mul3A_374 : f32 to vector<16xf32>
    %mul3A_376 = arith.mulf %mul3A_375, %add3A_373 : vector<16xf32>
    %div3A_377 = arith.divf %broadcast_in_dim3A_354, %mul3A_376 : vector<16xf32>
    %add3A_378 = arith.addf %mul3A_376, %div3A_377 : vector<16xf32>
    %mul3A_379 = arith.constant 5.000000e-01 : f32
    %mul3A_380 = vector.broadcast %mul3A_379 : f32 to vector<16xf32>
    %mul3A_381 = arith.mulf %mul3A_380, %add3A_378 : vector<16xf32>
    %div3A_382 = arith.divf %broadcast_in_dim3A_354, %mul3A_381 : vector<16xf32>
    %add3A_383 = arith.addf %mul3A_381, %div3A_382 : vector<16xf32>
    %mul3A_384 = arith.constant 5.000000e-01 : f32
    %mul3A_385 = vector.broadcast %mul3A_384 : f32 to vector<16xf32>
    %mul3A_386 = arith.mulf %mul3A_385, %add3A_383 : vector<16xf32>
    %div3A_387 = arith.divf %broadcast_in_dim3A_354, %mul3A_386 : vector<16xf32>
    %add3A_388 = arith.addf %mul3A_386, %div3A_387 : vector<16xf32>
    %mul3A_389 = arith.constant 5.000000e-01 : f32
    %mul3A_390 = vector.broadcast %mul3A_389 : f32 to vector<16xf32>
    %mul3A_391 = arith.mulf %mul3A_390, %add3A_388 : vector<16xf32>
    %div3A_392 = arith.divf %broadcast_in_dim3A_354, %mul3A_391 : vector<16xf32>
    %add3A_393 = arith.addf %mul3A_391, %div3A_392 : vector<16xf32>
    %mul3A_394 = arith.constant 5.000000e-01 : f32
    %mul3A_395 = vector.broadcast %mul3A_394 : f32 to vector<16xf32>
    %mul3A_396 = arith.mulf %mul3A_395, %add3A_393 : vector<16xf32>
    %div3A_397 = arith.divf %broadcast_in_dim3A_354, %mul3A_396 : vector<16xf32>
    %add3A_398 = arith.addf %mul3A_396, %div3A_397 : vector<16xf32>
    %mul3A_399 = arith.constant 5.000000e-01 : f32
    %mul3A_400 = vector.broadcast %mul3A_399 : f32 to vector<16xf32>
    %mul3A_401 = arith.mulf %mul3A_400, %add3A_398 : vector<16xf32>
    %div3A_402 = arith.divf %broadcast_in_dim3A_354, %mul3A_401 : vector<16xf32>
    %add3A_403 = arith.addf %mul3A_401, %div3A_402 : vector<16xf32>
    %mul3A_404 = arith.constant 5.000000e-01 : f32
    %mul3A_405 = vector.broadcast %mul3A_404 : f32 to vector<16xf32>
    %mul3A_406 = arith.mulf %mul3A_405, %add3A_403 : vector<16xf32>
    %div3A_407 = arith.divf %broadcast_in_dim3A_354, %mul3A_406 : vector<16xf32>
    %add3A_408 = arith.addf %mul3A_406, %div3A_407 : vector<16xf32>
    %mul3A_409 = arith.constant 5.000000e-01 : f32
    %mul3A_410 = vector.broadcast %mul3A_409 : f32 to vector<16xf32>
    %mul3A_411 = arith.mulf %mul3A_410, %add3A_408 : vector<16xf32>
    %div3A_412 = arith.divf %broadcast_in_dim3A_354, %mul3A_411 : vector<16xf32>
    %add3A_413 = arith.addf %mul3A_411, %div3A_412 : vector<16xf32>
    %mul3A_414 = arith.constant 5.000000e-01 : f32
    %mul3A_415 = vector.broadcast %mul3A_414 : f32 to vector<16xf32>
    %mul3A_416 = arith.mulf %mul3A_415, %add3A_413 : vector<16xf32>
    %div3A_417 = arith.divf %broadcast_in_dim3A_354, %mul3A_416 : vector<16xf32>
    %add3A_418 = arith.addf %mul3A_416, %div3A_417 : vector<16xf32>
    %mul3A_419 = arith.constant 5.000000e-01 : f32
    %mul3A_420 = vector.broadcast %mul3A_419 : f32 to vector<16xf32>
    %mul3A_421 = arith.mulf %mul3A_420, %add3A_418 : vector<16xf32>
    %div3A_422 = arith.divf %broadcast_in_dim3A_354, %mul3A_421 : vector<16xf32>
    %add3A_423 = arith.addf %mul3A_421, %div3A_422 : vector<16xf32>
    %mul3A_424 = arith.constant 5.000000e-01 : f32
    %mul3A_425 = vector.broadcast %mul3A_424 : f32 to vector<16xf32>
    %mul3A_426 = arith.mulf %mul3A_425, %add3A_423 : vector<16xf32>
    %div3A_427 = arith.divf %broadcast_in_dim3A_354, %mul3A_426 : vector<16xf32>
    %add3A_428 = arith.addf %mul3A_426, %div3A_427 : vector<16xf32>
    %mul3A_429 = arith.constant 5.000000e-01 : f32
    %mul3A_430 = vector.broadcast %mul3A_429 : f32 to vector<16xf32>
    %mul3A_431 = arith.mulf %mul3A_430, %add3A_428 : vector<16xf32>
    %div3A_432 = arith.divf %broadcast_in_dim3A_354, %mul3A_431 : vector<16xf32>
    %add3A_433 = arith.addf %mul3A_431, %div3A_432 : vector<16xf32>
    %mul3A_434 = arith.constant 5.000000e-01 : f32
    %mul3A_435 = vector.broadcast %mul3A_434 : f32 to vector<16xf32>
    %mul3A_436 = arith.mulf %mul3A_435, %add3A_433 : vector<16xf32>
    %div3A_437 = arith.constant 1.000000e+00 : f32
    %div3A_438 = vector.broadcast %div3A_437 : f32 to vector<16xf32>
    %div3A_439 = arith.divf %div3A_438, %mul3A_436 : vector<16xf32>
    %scan3A_440 = arith.constant 0 : i32
    %scan3A_441 = arith.constant 0 : i32
    %scan3A_442 = arith.constant 64 : i32
    %scan3A_443 = arith.addi %scan3A_441, %scan3A_442 : i32
    %scan3A_444 = arith.constant 1 : i32
    scf.for %scan3A_667 = %scan3A_441 to %scan3A_443 step %scan3A_444  : i32 {
      %mul3A_668 = arith.constant 16 : i32
      %mul3A_669 = arith.muli %scan3A_667, %mul3A_668 : i32
      %add3A_670 = arith.constant 1024 : i32
      %add3A_671 = arith.addi %add3A_670, %mul3A_669 : i32
      %multiple_of3A = tpu.assume_multiple %add3A_671, 8 : i32
      %mul3A_672 = arith.constant 16 : i32
      %mul3A_673 = arith.muli %scan3A_667, %mul3A_672 : i32
      %multiple_of3A_674 = tpu.assume_multiple %mul3A_673, 8 : i32
      %get3A = arith.index_cast %multiple_of3A : i32 to index
      %get3A_675 = tpu.vector_load %arg8[%get3A] {strides = array<i32>} : memref<3072xf32, #tpu.memory_space<vmem>>, vector<16xf32>,
      %get3A_676 = vector.shape_cast %get3A_675 : vector<16xf32> to vector<16xf32>
      %sub3A_677 = vector.broadcast %mul3A_298 : f32 to vector<16xf32>
      %sub3A_678 = arith.subf %get3A_676, %sub3A_677 : vector<16xf32>
      %mul3A_679 = arith.mulf %sub3A_678, %div3A_439 : vector<16xf32>
      %get3A_680 = arith.index_cast %multiple_of3A_674 : i32 to index
      %get3A_681 = tpu.vector_load %arg10[%get3A_680] {strides = array<i32>} : memref<1024xf32, #tpu.memory_space<vmem>>, vector<16xf32>,
      %get3A_682 = vector.shape_cast %get3A_681 : vector<16xf32> to vector<16xf32>
      %mul3A_683 = arith.mulf %mul3A_679, %get3A_682 : vector<16xf32>
      %get3A_684 = arith.index_cast %multiple_of3A_674 : i32 to index
      %get3A_685 = tpu.vector_load %arg11[%get3A_684] {strides = array<i32>} : memref<1024xf32, #tpu.memory_space<vmem>>, vector<16xf32>,
      %get3A_686 = vector.shape_cast %get3A_685 : vector<16xf32> to vector<16xf32>
      %add3A_687 = arith.addf %mul3A_683, %get3A_686 : vector<16xf32>
      %swap3A = arith.index_cast %multiple_of3A : i32 to index
      %swap3A_688 = tpu.vector_load %arg9[%swap3A] {strides = array<i32>} : memref<3072xf32, #tpu.memory_space<vmem>>, vector<16xf32>,
      %swap3A_689 = vector.shape_cast %swap3A_688 : vector<16xf32> to vector<16xf32>
      %swap3A_690 = vector.shape_cast %add3A_687 : vector<16xf32> to vector<16xf32>
      tpu.vector_store %arg9[%swap3A], %swap3A_690 {strides = array<i32>} : memref<3072xf32, #tpu.memory_space<vmem>>, vector<16xf32>,
    }
    %scan3A_445 = arith.constant 64 : i32
    %broadcast_in_dim3A_446 = arith.constant 0.000000e+00 : f32
    %broadcast_in_dim3A_447 = vector.broadcast %broadcast_in_dim3A_446 : f32 to vector<16xf32>
    %scan3A_448 = arith.constant 0 : i32
    %scan3A_449 = arith.constant 64 : i32
    %scan3A_450 = arith.addi %scan3A_448, %scan3A_449 : i32
    %scan3A_451 = arith.constant 1 : i32
    %scan3A_452:2 = scf.for %scan3A_667 = %scan3A_448 to %scan3A_450 step %scan3A_451 iter_args(%scan3A_668 = %broadcast_in_dim3A_447, %scan3A_669 = %broadcast_in_dim3A_447) -> (vector<16xf32>, vector<16xf32>)  : i32 {
      %mul3A_670 = arith.constant 16 : i32
      %mul3A_671 = arith.muli %scan3A_667, %mul3A_670 : i32
      %add3A_672 = arith.constant 2048 : i32
      %add3A_673 = arith.addi %add3A_672, %mul3A_671 : i32
      %multiple_of3A = tpu.assume_multiple %add3A_673, 8 : i32
      %get3A = arith.index_cast %multiple_of3A : i32 to index
      %get3A_674 = tpu.vector_load %arg8[%get3A] {strides = array<i32>} : memref<3072xf32, #tpu.memory_space<vmem>>, vector<16xf32>,
      %get3A_675 = vector.shape_cast %get3A_674 : vector<16xf32> to vector<16xf32>
      %add3A_676 = arith.addf %scan3A_668, %get3A_675 : vector<16xf32>
      %mul3A_677 = arith.mulf %get3A_675, %get3A_675 : vector<16xf32>
      %add3A_678 = arith.addf %scan3A_669, %mul3A_677 : vector<16xf32>
      scf.yield %add3A_676, %add3A_678 : vector<16xf32>, vector<16xf32>
    }
    %scan3A_453 = arith.constant 64 : i32
    %slice3A_454 = vector.extract_strided_slice %scan3A_452#0 {offsets = [0], sizes = [1], strides = [1]} : vector<16xf32> to vector<1xf32>
    %squeeze3A_455 = vector.extract %slice3A_454[0] : f32 from vector<1xf32>
    %add3A_456 = arith.constant 0.000000e+00 : f32
    %add3A_457 = arith.addf %add3A_456, %squeeze3A_455 : f32
    %slice3A_458 = vector.extract_strided_slice %scan3A_452#0 {offsets = [1], sizes = [1], strides = [1]} : vector<16xf32> to vector<1xf32>
    %squeeze3A_459 = vector.extract %slice3A_458[0] : f32 from vector<1xf32>
    %add3A_460 = arith.addf %add3A_457, %squeeze3A_459 : f32
    %slice3A_461 = vector.extract_strided_slice %scan3A_452#0 {offsets = [2], sizes = [1], strides = [1]} : vector<16xf32> to vector<1xf32>
    %squeeze3A_462 = vector.extract %slice3A_461[0] : f32 from vector<1xf32>
    %add3A_463 = arith.addf %add3A_460, %squeeze3A_462 : f32
    %slice3A_464 = vector.extract_strided_slice %scan3A_452#0 {offsets = [3], sizes = [1], strides = [1]} : vector<16xf32> to vector<1xf32>
    %squeeze3A_465 = vector.extract %slice3A_464[0] : f32 from vector<1xf32>
    %add3A_466 = arith.addf %add3A_463, %squeeze3A_465 : f32
    %slice3A_467 = vector.extract_strided_slice %scan3A_452#0 {offsets = [4], sizes = [1], strides = [1]} : vector<16xf32> to vector<1xf32>
    %squeeze3A_468 = vector.extract %slice3A_467[0] : f32 from vector<1xf32>
    %add3A_469 = arith.addf %add3A_466, %squeeze3A_468 : f32
    %slice3A_470 = vector.extract_strided_slice %scan3A_452#0 {offsets = [5], sizes = [1], strides = [1]} : vector<16xf32> to vector<1xf32>
    %squeeze3A_471 = vector.extract %slice3A_470[0] : f32 from vector<1xf32>
    %add3A_472 = arith.addf %add3A_469, %squeeze3A_471 : f32
    %slice3A_473 = vector.extract_strided_slice %scan3A_452#0 {offsets = [6], sizes = [1], strides = [1]} : vector<16xf32> to vector<1xf32>
    %squeeze3A_474 = vector.extract %slice3A_473[0] : f32 from vector<1xf32>
    %add3A_475 = arith.addf %add3A_472, %squeeze3A_474 : f32
    %slice3A_476 = vector.extract_strided_slice %scan3A_452#0 {offsets = [7], sizes = [1], strides = [1]} : vector<16xf32> to vector<1xf32>
    %squeeze3A_477 = vector.extract %slice3A_476[0] : f32 from vector<1xf32>
    %add3A_478 = arith.addf %add3A_475, %squeeze3A_477 : f32
    %slice3A_479 = vector.extract_strided_slice %scan3A_452#0 {offsets = [8], sizes = [1], strides = [1]} : vector<16xf32> to vector<1xf32>
    %squeeze3A_480 = vector.extract %slice3A_479[0] : f32 from vector<1xf32>
    %add3A_481 = arith.addf %add3A_478, %squeeze3A_480 : f32
    %slice3A_482 = vector.extract_strided_slice %scan3A_452#0 {offsets = [9], sizes = [1], strides = [1]} : vector<16xf32> to vector<1xf32>
    %squeeze3A_483 = vector.extract %slice3A_482[0] : f32 from vector<1xf32>
    %add3A_484 = arith.addf %add3A_481, %squeeze3A_483 : f32
    %slice3A_485 = vector.extract_strided_slice %scan3A_452#0 {offsets = [10], sizes = [1], strides = [1]} : vector<16xf32> to vector<1xf32>
    %squeeze3A_486 = vector.extract %slice3A_485[0] : f32 from vector<1xf32>
    %add3A_487 = arith.addf %add3A_484, %squeeze3A_486 : f32
    %slice3A_488 = vector.extract_strided_slice %scan3A_452#0 {offsets = [11], sizes = [1], strides = [1]} : vector<16xf32> to vector<1xf32>
    %squeeze3A_489 = vector.extract %slice3A_488[0] : f32 from vector<1xf32>
    %add3A_490 = arith.addf %add3A_487, %squeeze3A_489 : f32
    %slice3A_491 = vector.extract_strided_slice %scan3A_452#0 {offsets = [12], sizes = [1], strides = [1]} : vector<16xf32> to vector<1xf32>
    %squeeze3A_492 = vector.extract %slice3A_491[0] : f32 from vector<1xf32>
    %add3A_493 = arith.addf %add3A_490, %squeeze3A_492 : f32
    %slice3A_494 = vector.extract_strided_slice %scan3A_452#0 {offsets = [13], sizes = [1], strides = [1]} : vector<16xf32> to vector<1xf32>
    %squeeze3A_495 = vector.extract %slice3A_494[0] : f32 from vector<1xf32>
    %add3A_496 = arith.addf %add3A_493, %squeeze3A_495 : f32
    %slice3A_497 = vector.extract_strided_slice %scan3A_452#0 {offsets = [14], sizes = [1], strides = [1]} : vector<16xf32> to vector<1xf32>
    %squeeze3A_498 = vector.extract %slice3A_497[0] : f32 from vector<1xf32>
    %add3A_499 = arith.addf %add3A_496, %squeeze3A_498 : f32
    %slice3A_500 = vector.extract_strided_slice %scan3A_452#0 {offsets = [15], sizes = [1], strides = [1]} : vector<16xf32> to vector<1xf32>
    %squeeze3A_501 = vector.extract %slice3A_500[0] : f32 from vector<1xf32>
    %add3A_502 = arith.addf %add3A_499, %squeeze3A_501 : f32
    %mul3A_503 = arith.constant 9.765625E-4 : f32
    %mul3A_504 = arith.mulf %add3A_502, %mul3A_503 : f32
    %slice3A_505 = vector.extract_strided_slice %scan3A_452#1 {offsets = [0], sizes = [1], strides = [1]} : vector<16xf32> to vector<1xf32>
    %squeeze3A_506 = vector.extract %slice3A_505[0] : f32 from vector<1xf32>
    %add3A_507 = arith.constant 0.000000e+00 : f32
    %add3A_508 = arith.addf %add3A_507, %squeeze3A_506 : f32
    %slice3A_509 = vector.extract_strided_slice %scan3A_452#1 {offsets = [1], sizes = [1], strides = [1]} : vector<16xf32> to vector<1xf32>
    %squeeze3A_510 = vector.extract %slice3A_509[0] : f32 from vector<1xf32>
    %add3A_511 = arith.addf %add3A_508, %squeeze3A_510 : f32
    %slice3A_512 = vector.extract_strided_slice %scan3A_452#1 {offsets = [2], sizes = [1], strides = [1]} : vector<16xf32> to vector<1xf32>
    %squeeze3A_513 = vector.extract %slice3A_512[0] : f32 from vector<1xf32>
    %add3A_514 = arith.addf %add3A_511, %squeeze3A_513 : f32
    %slice3A_515 = vector.extract_strided_slice %scan3A_452#1 {offsets = [3], sizes = [1], strides = [1]} : vector<16xf32> to vector<1xf32>
    %squeeze3A_516 = vector.extract %slice3A_515[0] : f32 from vector<1xf32>
    %add3A_517 = arith.addf %add3A_514, %squeeze3A_516 : f32
    %slice3A_518 = vector.extract_strided_slice %scan3A_452#1 {offsets = [4], sizes = [1], strides = [1]} : vector<16xf32> to vector<1xf32>
    %squeeze3A_519 = vector.extract %slice3A_518[0] : f32 from vector<1xf32>
    %add3A_520 = arith.addf %add3A_517, %squeeze3A_519 : f32
    %slice3A_521 = vector.extract_strided_slice %scan3A_452#1 {offsets = [5], sizes = [1], strides = [1]} : vector<16xf32> to vector<1xf32>
    %squeeze3A_522 = vector.extract %slice3A_521[0] : f32 from vector<1xf32>
    %add3A_523 = arith.addf %add3A_520, %squeeze3A_522 : f32
    %slice3A_524 = vector.extract_strided_slice %scan3A_452#1 {offsets = [6], sizes = [1], strides = [1]} : vector<16xf32> to vector<1xf32>
    %squeeze3A_525 = vector.extract %slice3A_524[0] : f32 from vector<1xf32>
    %add3A_526 = arith.addf %add3A_523, %squeeze3A_525 : f32
    %slice3A_527 = vector.extract_strided_slice %scan3A_452#1 {offsets = [7], sizes = [1], strides = [1]} : vector<16xf32> to vector<1xf32>
    %squeeze3A_528 = vector.extract %slice3A_527[0] : f32 from vector<1xf32>
    %add3A_529 = arith.addf %add3A_526, %squeeze3A_528 : f32
    %slice3A_530 = vector.extract_strided_slice %scan3A_452#1 {offsets = [8], sizes = [1], strides = [1]} : vector<16xf32> to vector<1xf32>
    %squeeze3A_531 = vector.extract %slice3A_530[0] : f32 from vector<1xf32>
    %add3A_532 = arith.addf %add3A_529, %squeeze3A_531 : f32
    %slice3A_533 = vector.extract_strided_slice %scan3A_452#1 {offsets = [9], sizes = [1], strides = [1]} : vector<16xf32> to vector<1xf32>
    %squeeze3A_534 = vector.extract %slice3A_533[0] : f32 from vector<1xf32>
    %add3A_535 = arith.addf %add3A_532, %squeeze3A_534 : f32
    %slice3A_536 = vector.extract_strided_slice %scan3A_452#1 {offsets = [10], sizes = [1], strides = [1]} : vector<16xf32> to vector<1xf32>
    %squeeze3A_537 = vector.extract %slice3A_536[0] : f32 from vector<1xf32>
    %add3A_538 = arith.addf %add3A_535, %squeeze3A_537 : f32
    %slice3A_539 = vector.extract_strided_slice %scan3A_452#1 {offsets = [11], sizes = [1], strides = [1]} : vector<16xf32> to vector<1xf32>
    %squeeze3A_540 = vector.extract %slice3A_539[0] : f32 from vector<1xf32>
    %add3A_541 = arith.addf %add3A_538, %squeeze3A_540 : f32
    %slice3A_542 = vector.extract_strided_slice %scan3A_452#1 {offsets = [12], sizes = [1], strides = [1]} : vector<16xf32> to vector<1xf32>
    %squeeze3A_543 = vector.extract %slice3A_542[0] : f32 from vector<1xf32>
    %add3A_544 = arith.addf %add3A_541, %squeeze3A_543 : f32
    %slice3A_545 = vector.extract_strided_slice %scan3A_452#1 {offsets = [13], sizes = [1], strides = [1]} : vector<16xf32> to vector<1xf32>
    %squeeze3A_546 = vector.extract %slice3A_545[0] : f32 from vector<1xf32>
    %add3A_547 = arith.addf %add3A_544, %squeeze3A_546 : f32
    %slice3A_548 = vector.extract_strided_slice %scan3A_452#1 {offsets = [14], sizes = [1], strides = [1]} : vector<16xf32> to vector<1xf32>
    %squeeze3A_549 = vector.extract %slice3A_548[0] : f32 from vector<1xf32>
    %add3A_550 = arith.addf %add3A_547, %squeeze3A_549 : f32
    %slice3A_551 = vector.extract_strided_slice %scan3A_452#1 {offsets = [15], sizes = [1], strides = [1]} : vector<16xf32> to vector<1xf32>
    %squeeze3A_552 = vector.extract %slice3A_551[0] : f32 from vector<1xf32>
    %add3A_553 = arith.addf %add3A_550, %squeeze3A_552 : f32
    %mul3A_554 = arith.constant 9.765625E-4 : f32
    %mul3A_555 = arith.mulf %add3A_553, %mul3A_554 : f32
    %mul3A_556 = arith.mulf %mul3A_504, %mul3A_504 : f32
    %sub3A_557 = arith.subf %mul3A_555, %mul3A_556 : f32
    %add3A_558 = arith.constant 9.99999996E-13 : f32
    %add3A_559 = arith.addf %sub3A_557, %add3A_558 : f32
    %broadcast_in_dim3A_560 = vector.broadcast %add3A_559 : f32 to vector<16xf32>
    %broadcast_in_dim3A_561 = arith.constant 1.000000e+00 : f32
    %broadcast_in_dim3A_562 = vector.broadcast %broadcast_in_dim3A_561 : f32 to vector<16xf32>
    %div3A_563 = arith.divf %broadcast_in_dim3A_560, %broadcast_in_dim3A_562 : vector<16xf32>
    %add3A_564 = arith.addf %broadcast_in_dim3A_562, %div3A_563 : vector<16xf32>
    %mul3A_565 = arith.constant 5.000000e-01 : f32
    %mul3A_566 = vector.broadcast %mul3A_565 : f32 to vector<16xf32>
    %mul3A_567 = arith.mulf %mul3A_566, %add3A_564 : vector<16xf32>
    %div3A_568 = arith.divf %broadcast_in_dim3A_560, %mul3A_567 : vector<16xf32>
    %add3A_569 = arith.addf %mul3A_567, %div3A_568 : vector<16xf32>
    %mul3A_570 = arith.constant 5.000000e-01 : f32
    %mul3A_571 = vector.broadcast %mul3A_570 : f32 to vector<16xf32>
    %mul3A_572 = arith.mulf %mul3A_571, %add3A_569 : vector<16xf32>
    %div3A_573 = arith.divf %broadcast_in_dim3A_560, %mul3A_572 : vector<16xf32>
    %add3A_574 = arith.addf %mul3A_572, %div3A_573 : vector<16xf32>
    %mul3A_575 = arith.constant 5.000000e-01 : f32
    %mul3A_576 = vector.broadcast %mul3A_575 : f32 to vector<16xf32>
    %mul3A_577 = arith.mulf %mul3A_576, %add3A_574 : vector<16xf32>
    %div3A_578 = arith.divf %broadcast_in_dim3A_560, %mul3A_577 : vector<16xf32>
    %add3A_579 = arith.addf %mul3A_577, %div3A_578 : vector<16xf32>
    %mul3A_580 = arith.constant 5.000000e-01 : f32
    %mul3A_581 = vector.broadcast %mul3A_580 : f32 to vector<16xf32>
    %mul3A_582 = arith.mulf %mul3A_581, %add3A_579 : vector<16xf32>
    %div3A_583 = arith.divf %broadcast_in_dim3A_560, %mul3A_582 : vector<16xf32>
    %add3A_584 = arith.addf %mul3A_582, %div3A_583 : vector<16xf32>
    %mul3A_585 = arith.constant 5.000000e-01 : f32
    %mul3A_586 = vector.broadcast %mul3A_585 : f32 to vector<16xf32>
    %mul3A_587 = arith.mulf %mul3A_586, %add3A_584 : vector<16xf32>
    %div3A_588 = arith.divf %broadcast_in_dim3A_560, %mul3A_587 : vector<16xf32>
    %add3A_589 = arith.addf %mul3A_587, %div3A_588 : vector<16xf32>
    %mul3A_590 = arith.constant 5.000000e-01 : f32
    %mul3A_591 = vector.broadcast %mul3A_590 : f32 to vector<16xf32>
    %mul3A_592 = arith.mulf %mul3A_591, %add3A_589 : vector<16xf32>
    %div3A_593 = arith.divf %broadcast_in_dim3A_560, %mul3A_592 : vector<16xf32>
    %add3A_594 = arith.addf %mul3A_592, %div3A_593 : vector<16xf32>
    %mul3A_595 = arith.constant 5.000000e-01 : f32
    %mul3A_596 = vector.broadcast %mul3A_595 : f32 to vector<16xf32>
    %mul3A_597 = arith.mulf %mul3A_596, %add3A_594 : vector<16xf32>
    %div3A_598 = arith.divf %broadcast_in_dim3A_560, %mul3A_597 : vector<16xf32>
    %add3A_599 = arith.addf %mul3A_597, %div3A_598 : vector<16xf32>
    %mul3A_600 = arith.constant 5.000000e-01 : f32
    %mul3A_601 = vector.broadcast %mul3A_600 : f32 to vector<16xf32>
    %mul3A_602 = arith.mulf %mul3A_601, %add3A_599 : vector<16xf32>
    %div3A_603 = arith.divf %broadcast_in_dim3A_560, %mul3A_602 : vector<16xf32>
    %add3A_604 = arith.addf %mul3A_602, %div3A_603 : vector<16xf32>
    %mul3A_605 = arith.constant 5.000000e-01 : f32
    %mul3A_606 = vector.broadcast %mul3A_605 : f32 to vector<16xf32>
    %mul3A_607 = arith.mulf %mul3A_606, %add3A_604 : vector<16xf32>
    %div3A_608 = arith.divf %broadcast_in_dim3A_560, %mul3A_607 : vector<16xf32>
    %add3A_609 = arith.addf %mul3A_607, %div3A_608 : vector<16xf32>
    %mul3A_610 = arith.constant 5.000000e-01 : f32
    %mul3A_611 = vector.broadcast %mul3A_610 : f32 to vector<16xf32>
    %mul3A_612 = arith.mulf %mul3A_611, %add3A_609 : vector<16xf32>
    %div3A_613 = arith.divf %broadcast_in_dim3A_560, %mul3A_612 : vector<16xf32>
    %add3A_614 = arith.addf %mul3A_612, %div3A_613 : vector<16xf32>
    %mul3A_615 = arith.constant 5.000000e-01 : f32
    %mul3A_616 = vector.broadcast %mul3A_615 : f32 to vector<16xf32>
    %mul3A_617 = arith.mulf %mul3A_616, %add3A_614 : vector<16xf32>
    %div3A_618 = arith.divf %broadcast_in_dim3A_560, %mul3A_617 : vector<16xf32>
    %add3A_619 = arith.addf %mul3A_617, %div3A_618 : vector<16xf32>
    %mul3A_620 = arith.constant 5.000000e-01 : f32
    %mul3A_621 = vector.broadcast %mul3A_620 : f32 to vector<16xf32>
    %mul3A_622 = arith.mulf %mul3A_621, %add3A_619 : vector<16xf32>
    %div3A_623 = arith.divf %broadcast_in_dim3A_560, %mul3A_622 : vector<16xf32>
    %add3A_624 = arith.addf %mul3A_622, %div3A_623 : vector<16xf32>
    %mul3A_625 = arith.constant 5.000000e-01 : f32
    %mul3A_626 = vector.broadcast %mul3A_625 : f32 to vector<16xf32>
    %mul3A_627 = arith.mulf %mul3A_626, %add3A_624 : vector<16xf32>
    %div3A_628 = arith.divf %broadcast_in_dim3A_560, %mul3A_627 : vector<16xf32>
    %add3A_629 = arith.addf %mul3A_627, %div3A_628 : vector<16xf32>
    %mul3A_630 = arith.constant 5.000000e-01 : f32
    %mul3A_631 = vector.broadcast %mul3A_630 : f32 to vector<16xf32>
    %mul3A_632 = arith.mulf %mul3A_631, %add3A_629 : vector<16xf32>
    %div3A_633 = arith.divf %broadcast_in_dim3A_560, %mul3A_632 : vector<16xf32>
    %add3A_634 = arith.addf %mul3A_632, %div3A_633 : vector<16xf32>
    %mul3A_635 = arith.constant 5.000000e-01 : f32
    %mul3A_636 = vector.broadcast %mul3A_635 : f32 to vector<16xf32>
    %mul3A_637 = arith.mulf %mul3A_636, %add3A_634 : vector<16xf32>
    %div3A_638 = arith.divf %broadcast_in_dim3A_560, %mul3A_637 : vector<16xf32>
    %add3A_639 = arith.addf %mul3A_637, %div3A_638 : vector<16xf32>
    %mul3A_640 = arith.constant 5.000000e-01 : f32
    %mul3A_641 = vector.broadcast %mul3A_640 : f32 to vector<16xf32>
    %mul3A_642 = arith.mulf %mul3A_641, %add3A_639 : vector<16xf32>
    %div3A_643 = arith.constant 1.000000e+00 : f32
    %div3A_644 = vector.broadcast %div3A_643 : f32 to vector<16xf32>
    %div3A_645 = arith.divf %div3A_644, %mul3A_642 : vector<16xf32>
    %scan3A_646 = arith.constant 0 : i32
    %scan3A_647 = arith.constant 0 : i32
    %scan3A_648 = arith.constant 64 : i32
    %scan3A_649 = arith.addi %scan3A_647, %scan3A_648 : i32
    %scan3A_650 = arith.constant 1 : i32
    scf.for %scan3A_667 = %scan3A_647 to %scan3A_649 step %scan3A_650  : i32 {
      %mul3A_668 = arith.constant 16 : i32
      %mul3A_669 = arith.muli %scan3A_667, %mul3A_668 : i32
      %add3A_670 = arith.constant 2048 : i32
      %add3A_671 = arith.addi %add3A_670, %mul3A_669 : i32
      %multiple_of3A = tpu.assume_multiple %add3A_671, 8 : i32
      %mul3A_672 = arith.constant 16 : i32
      %mul3A_673 = arith.muli %scan3A_667, %mul3A_672 : i32
      %multiple_of3A_674 = tpu.assume_multiple %mul3A_673, 8 : i32
      %get3A = arith.index_cast %multiple_of3A : i32 to index
      %get3A_675 = tpu.vector_load %arg8[%get3A] {strides = array<i32>} : memref<3072xf32, #tpu.memory_space<vmem>>, vector<16xf32>,
      %get3A_676 = vector.shape_cast %get3A_675 : vector<16xf32> to vector<16xf32>
      %sub3A_677 = vector.broadcast %mul3A_504 : f32 to vector<16xf32>
      %sub3A_678 = arith.subf %get3A_676, %sub3A_677 : vector<16xf32>
      %mul3A_679 = arith.mulf %sub3A_678, %div3A_645 : vector<16xf32>
      %get3A_680 = arith.index_cast %multiple_of3A_674 : i32 to index
      %get3A_681 = tpu.vector_load %arg10[%get3A_680] {strides = array<i32>} : memref<1024xf32, #tpu.memory_space<vmem>>, vector<16xf32>,
      %get3A_682 = vector.shape_cast %get3A_681 : vector<16xf32> to vector<16xf32>
      %mul3A_683 = arith.mulf %mul3A_679, %get3A_682 : vector<16xf32>
      %get3A_684 = arith.index_cast %multiple_of3A_674 : i32 to index
      %get3A_685 = tpu.vector_load %arg11[%get3A_684] {strides = array<i32>} : memref<1024xf32, #tpu.memory_space<vmem>>, vector<16xf32>,
      %get3A_686 = vector.shape_cast %get3A_685 : vector<16xf32> to vector<16xf32>
      %add3A_687 = arith.addf %mul3A_683, %get3A_686 : vector<16xf32>
      %swap3A = arith.index_cast %multiple_of3A : i32 to index
      %swap3A_688 = tpu.vector_load %arg9[%swap3A] {strides = array<i32>} : memref<3072xf32, #tpu.memory_space<vmem>>, vector<16xf32>,
      %swap3A_689 = vector.shape_cast %swap3A_688 : vector<16xf32> to vector<16xf32>
      %swap3A_690 = vector.shape_cast %add3A_687 : vector<16xf32> to vector<16xf32>
      tpu.vector_store %arg9[%swap3A], %swap3A_690 {strides = array<i32>} : memref<3072xf32, #tpu.memory_space<vmem>>, vector<16xf32>,
    }
    %scan3A_651 = arith.constant 64 : i32
    %dma_wait3A = tpu.memref_slice %arg5[%select_n3A, %mul3A_34] : memref<4x8192xi32, #tpu.memory_space<hbm>> -> memref<1x1024xi32, #tpu.memory_space<hbm>>
    %dma_wait3A_652 = tpu.memref_squeeze %dma_wait3A : memref<1x1024xi32, #tpu.memory_space<hbm>> -> memref<1024xi32, #tpu.memory_space<hbm>>
    %dma_wait3A_653 = tpu.memref_slice %arg5[%select_n3A, %mul3A_34] : memref<4x8192xi32, #tpu.memory_space<hbm>> -> memref<1x1024xi32, #tpu.memory_space<hbm>>
    %dma_wait3A_654 = tpu.memref_squeeze %dma_wait3A_653 : memref<1x1024xi32, #tpu.memory_space<hbm>> -> memref<1024xi32, #tpu.memory_space<hbm>>
    tpu.wait_dma2 semaphore(%arg13 : memref<!tpu.dma_semaphore, #tpu.memory_space<semaphore_mem>>) src(%dma_wait3A_654 : memref<1024xi32, #tpu.memory_space<hbm>>) dst(%arg7 : memref<1024xi32, #tpu.memory_space<vmem>>)
    %scan3A_655 = arith.constant 0 : i32
    %scan3A_656 = arith.constant 0 : i32
    %scan3A_657 = arith.constant 64 : i32
    %scan3A_658 = arith.addi %scan3A_656, %scan3A_657 : i32
    %scan3A_659 = arith.constant 1 : i32
    scf.for %scan3A_667 = %scan3A_656 to %scan3A_658 step %scan3A_659  : i32 {
      %mul3A_668 = arith.constant 16 : i32
      %mul3A_669 = arith.muli %scan3A_667, %mul3A_668 : i32
      %multiple_of3A = tpu.assume_multiple %mul3A_669, 8 : i32
      %get3A = arith.index_cast %multiple_of3A : i32 to index
      %get3A_670 = tpu.vector_load %arg7[%get3A] {strides = array<i32>} : memref<1024xi32, #tpu.memory_space<vmem>>, vector<16xi32>,
      %get3A_671 = vector.shape_cast %get3A_670 : vector<16xi32> to vector<16xi32>
      %mul3A_672 = arith.constant 16 : i32
      %mul3A_673 = arith.muli %scan3A_667, %mul3A_672 : i32
      %add3A_674 = arith.addi %mul3A_2, %mul3A_673 : i32
      %slice3A_675 = vector.extract_strided_slice %get3A_671 {offsets = [0], sizes = [1], strides = [1]} : vector<16xi32> to vector<1xi32>
      %squeeze3A_676 = vector.extract %slice3A_675[0] : i32 from vector<1xi32>
      %mul3A_677 = arith.constant 1024 : i32
      %mul3A_678 = arith.muli %squeeze3A_676, %mul3A_677 : i32
      %multiple_of3A_679 = tpu.assume_multiple %mul3A_678, 8 : i32
      %add3A_680 = arith.constant 0 : i32
      %add3A_681 = arith.addi %add3A_674, %add3A_680 : i32
      %dma_start3A_682 = tpu.memref_slice %arg9[%multiple_of3A_679] : memref<3072xf32, #tpu.memory_space<vmem>> -> memref<1024xf32, #tpu.memory_space<vmem>>
      %dma_start3A_683 = arith.constant 0 : i32
      %dma_start3A_684 = tpu.memref_slice %arg6[%add3A_681, %dma_start3A_683] : memref<32768x1024xf32, #tpu.memory_space<hbm>> -> memref<1x1024xf32, #tpu.memory_space<hbm>>
      %dma_start3A_685 = tpu.memref_squeeze %dma_start3A_684 : memref<1x1024xf32, #tpu.memory_space<hbm>> -> memref<1024xf32, #tpu.memory_space<hbm>>
      %dma_start3A_686 = arith.constant 0 : i32
      %dma_start3A_687 = tpu.memref_slice %arg6[%add3A_681, %dma_start3A_686] : memref<32768x1024xf32, #tpu.memory_space<hbm>> -> memref<1x1024xf32, #tpu.memory_space<hbm>>
      %dma_start3A_688 = tpu.memref_squeeze %dma_start3A_687 : memref<1x1024xf32, #tpu.memory_space<hbm>> -> memref<1024xf32, #tpu.memory_space<hbm>>
      %dma_start3A_689 = tpu.memref_slice %arg9[%multiple_of3A_679] : memref<3072xf32, #tpu.memory_space<vmem>> -> memref<1024xf32, #tpu.memory_space<vmem>>
      tpu.enqueue_dma source(%dma_start3A_689 : memref<1024xf32, #tpu.memory_space<vmem>>) target(%dma_start3A_688 : memref<1024xf32, #tpu.memory_space<hbm>>) target_semaphore(%arg12 : memref<!tpu.dma_semaphore, #tpu.memory_space<semaphore_mem>>)
      %slice3A_690 = vector.extract_strided_slice %get3A_671 {offsets = [1], sizes = [1], strides = [1]} : vector<16xi32> to vector<1xi32>
      %squeeze3A_691 = vector.extract %slice3A_690[0] : i32 from vector<1xi32>
      %mul3A_692 = arith.constant 1024 : i32
      %mul3A_693 = arith.muli %squeeze3A_691, %mul3A_692 : i32
      %multiple_of3A_694 = tpu.assume_multiple %mul3A_693, 8 : i32
      %add3A_695 = arith.constant 1 : i32
      %add3A_696 = arith.addi %add3A_674, %add3A_695 : i32
      %dma_start3A_697 = tpu.memref_slice %arg9[%multiple_of3A_694] : memref<3072xf32, #tpu.memory_space<vmem>> -> memref<1024xf32, #tpu.memory_space<vmem>>
      %dma_start3A_698 = arith.constant 0 : i32
      %dma_start3A_699 = tpu.memref_slice %arg6[%add3A_696, %dma_start3A_698] : memref<32768x1024xf32, #tpu.memory_space<hbm>> -> memref<1x1024xf32, #tpu.memory_space<hbm>>
      %dma_start3A_700 = tpu.memref_squeeze %dma_start3A_699 : memref<1x1024xf32, #tpu.memory_space<hbm>> -> memref<1024xf32, #tpu.memory_space<hbm>>
      %dma_start3A_701 = arith.constant 0 : i32
      %dma_start3A_702 = tpu.memref_slice %arg6[%add3A_696, %dma_start3A_701] : memref<32768x1024xf32, #tpu.memory_space<hbm>> -> memref<1x1024xf32, #tpu.memory_space<hbm>>
      %dma_start3A_703 = tpu.memref_squeeze %dma_start3A_702 : memref<1x1024xf32, #tpu.memory_space<hbm>> -> memref<1024xf32, #tpu.memory_space<hbm>>
      %dma_start3A_704 = tpu.memref_slice %arg9[%multiple_of3A_694] : memref<3072xf32, #tpu.memory_space<vmem>> -> memref<1024xf32, #tpu.memory_space<vmem>>
      tpu.enqueue_dma source(%dma_start3A_704 : memref<1024xf32, #tpu.memory_space<vmem>>) target(%dma_start3A_703 : memref<1024xf32, #tpu.memory_space<hbm>>) target_semaphore(%arg12 : memref<!tpu.dma_semaphore, #tpu.memory_space<semaphore_mem>>)
      %slice3A_705 = vector.extract_strided_slice %get3A_671 {offsets = [2], sizes = [1], strides = [1]} : vector<16xi32> to vector<1xi32>
      %squeeze3A_706 = vector.extract %slice3A_705[0] : i32 from vector<1xi32>
      %mul3A_707 = arith.constant 1024 : i32
      %mul3A_708 = arith.muli %squeeze3A_706, %mul3A_707 : i32
      %multiple_of3A_709 = tpu.assume_multiple %mul3A_708, 8 : i32
      %add3A_710 = arith.constant 2 : i32
      %add3A_711 = arith.addi %add3A_674, %add3A_710 : i32
      %dma_start3A_712 = tpu.memref_slice %arg9[%multiple_of3A_709] : memref<3072xf32, #tpu.memory_space<vmem>> -> memref<1024xf32, #tpu.memory_space<vmem>>
      %dma_start3A_713 = arith.constant 0 : i32
      %dma_start3A_714 = tpu.memref_slice %arg6[%add3A_711, %dma_start3A_713] : memref<32768x1024xf32, #tpu.memory_space<hbm>> -> memref<1x1024xf32, #tpu.memory_space<hbm>>
      %dma_start3A_715 = tpu.memref_squeeze %dma_start3A_714 : memref<1x1024xf32, #tpu.memory_space<hbm>> -> memref<1024xf32, #tpu.memory_space<hbm>>
      %dma_start3A_716 = arith.constant 0 : i32
      %dma_start3A_717 = tpu.memref_slice %arg6[%add3A_711, %dma_start3A_716] : memref<32768x1024xf32, #tpu.memory_space<hbm>> -> memref<1x1024xf32, #tpu.memory_space<hbm>>
      %dma_start3A_718 = tpu.memref_squeeze %dma_start3A_717 : memref<1x1024xf32, #tpu.memory_space<hbm>> -> memref<1024xf32, #tpu.memory_space<hbm>>
      %dma_start3A_719 = tpu.memref_slice %arg9[%multiple_of3A_709] : memref<3072xf32, #tpu.memory_space<vmem>> -> memref<1024xf32, #tpu.memory_space<vmem>>
      tpu.enqueue_dma source(%dma_start3A_719 : memref<1024xf32, #tpu.memory_space<vmem>>) target(%dma_start3A_718 : memref<1024xf32, #tpu.memory_space<hbm>>) target_semaphore(%arg12 : memref<!tpu.dma_semaphore, #tpu.memory_space<semaphore_mem>>)
      %slice3A_720 = vector.extract_strided_slice %get3A_671 {offsets = [3], sizes = [1], strides = [1]} : vector<16xi32> to vector<1xi32>
      %squeeze3A_721 = vector.extract %slice3A_720[0] : i32 from vector<1xi32>
      %mul3A_722 = arith.constant 1024 : i32
      %mul3A_723 = arith.muli %squeeze3A_721, %mul3A_722 : i32
      %multiple_of3A_724 = tpu.assume_multiple %mul3A_723, 8 : i32
      %add3A_725 = arith.constant 3 : i32
      %add3A_726 = arith.addi %add3A_674, %add3A_725 : i32
      %dma_start3A_727 = tpu.memref_slice %arg9[%multiple_of3A_724] : memref<3072xf32, #tpu.memory_space<vmem>> -> memref<1024xf32, #tpu.memory_space<vmem>>
      %dma_start3A_728 = arith.constant 0 : i32
      %dma_start3A_729 = tpu.memref_slice %arg6[%add3A_726, %dma_start3A_728] : memref<32768x1024xf32, #tpu.memory_space<hbm>> -> memref<1x1024xf32, #tpu.memory_space<hbm>>
      %dma_start3A_730 = tpu.memref_squeeze %dma_start3A_729 : memref<1x1024xf32, #tpu.memory_space<hbm>> -> memref<1024xf32, #tpu.memory_space<hbm>>
      %dma_start3A_731 = arith.constant 0 : i32
      %dma_start3A_732 = tpu.memref_slice %arg6[%add3A_726, %dma_start3A_731] : memref<32768x1024xf32, #tpu.memory_space<hbm>> -> memref<1x1024xf32, #tpu.memory_space<hbm>>
      %dma_start3A_733 = tpu.memref_squeeze %dma_start3A_732 : memref<1x1024xf32, #tpu.memory_space<hbm>> -> memref<1024xf32, #tpu.memory_space<hbm>>
      %dma_start3A_734 = tpu.memref_slice %arg9[%multiple_of3A_724] : memref<3072xf32, #tpu.memory_space<vmem>> -> memref<1024xf32, #tpu.memory_space<vmem>>
      tpu.enqueue_dma source(%dma_start3A_734 : memref<1024xf32, #tpu.memory_space<vmem>>) target(%dma_start3A_733 : memref<1024xf32, #tpu.memory_space<hbm>>) target_semaphore(%arg12 : memref<!tpu.dma_semaphore, #tpu.memory_space<semaphore_mem>>)
      %slice3A_735 = vector.extract_strided_slice %get3A_671 {offsets = [4], sizes = [1], strides = [1]} : vector<16xi32> to vector<1xi32>
      %squeeze3A_736 = vector.extract %slice3A_735[0] : i32 from vector<1xi32>
      %mul3A_737 = arith.constant 1024 : i32
      %mul3A_738 = arith.muli %squeeze3A_736, %mul3A_737 : i32
      %multiple_of3A_739 = tpu.assume_multiple %mul3A_738, 8 : i32
      %add3A_740 = arith.constant 4 : i32
      %add3A_741 = arith.addi %add3A_674, %add3A_740 : i32
      %dma_start3A_742 = tpu.memref_slice %arg9[%multiple_of3A_739] : memref<3072xf32, #tpu.memory_space<vmem>> -> memref<1024xf32, #tpu.memory_space<vmem>>
      %dma_start3A_743 = arith.constant 0 : i32
      %dma_start3A_744 = tpu.memref_slice %arg6[%add3A_741, %dma_start3A_743] : memref<32768x1024xf32, #tpu.memory_space<hbm>> -> memref<1x1024xf32, #tpu.memory_space<hbm>>
      %dma_start3A_745 = tpu.memref_squeeze %dma_start3A_744 : memref<1x1024xf32, #tpu.memory_space<hbm>> -> memref<1024xf32, #tpu.memory_space<hbm>>
      %dma_start3A_746 = arith.constant 0 : i32
      %dma_start3A_747 = tpu.memref_slice %arg6[%add3A_741, %dma_start3A_746] : memref<32768x1024xf32, #tpu.memory_space<hbm>> -> memref<1x1024xf32, #tpu.memory_space<hbm>>
      %dma_start3A_748 = tpu.memref_squeeze %dma_start3A_747 : memref<1x1024xf32, #tpu.memory_space<hbm>> -> memref<1024xf32, #tpu.memory_space<hbm>>
      %dma_start3A_749 = tpu.memref_slice %arg9[%multiple_of3A_739] : memref<3072xf32, #tpu.memory_space<vmem>> -> memref<1024xf32, #tpu.memory_space<vmem>>
      tpu.enqueue_dma source(%dma_start3A_749 : memref<1024xf32, #tpu.memory_space<vmem>>) target(%dma_start3A_748 : memref<1024xf32, #tpu.memory_space<hbm>>) target_semaphore(%arg12 : memref<!tpu.dma_semaphore, #tpu.memory_space<semaphore_mem>>)
      %slice3A_750 = vector.extract_strided_slice %get3A_671 {offsets = [5], sizes = [1], strides = [1]} : vector<16xi32> to vector<1xi32>
      %squeeze3A_751 = vector.extract %slice3A_750[0] : i32 from vector<1xi32>
      %mul3A_752 = arith.constant 1024 : i32
      %mul3A_753 = arith.muli %squeeze3A_751, %mul3A_752 : i32
      %multiple_of3A_754 = tpu.assume_multiple %mul3A_753, 8 : i32
      %add3A_755 = arith.constant 5 : i32
      %add3A_756 = arith.addi %add3A_674, %add3A_755 : i32
      %dma_start3A_757 = tpu.memref_slice %arg9[%multiple_of3A_754] : memref<3072xf32, #tpu.memory_space<vmem>> -> memref<1024xf32, #tpu.memory_space<vmem>>
      %dma_start3A_758 = arith.constant 0 : i32
      %dma_start3A_759 = tpu.memref_slice %arg6[%add3A_756, %dma_start3A_758] : memref<32768x1024xf32, #tpu.memory_space<hbm>> -> memref<1x1024xf32, #tpu.memory_space<hbm>>
      %dma_start3A_760 = tpu.memref_squeeze %dma_start3A_759 : memref<1x1024xf32, #tpu.memory_space<hbm>> -> memref<1024xf32, #tpu.memory_space<hbm>>
      %dma_start3A_761 = arith.constant 0 : i32
      %dma_start3A_762 = tpu.memref_slice %arg6[%add3A_756, %dma_start3A_761] : memref<32768x1024xf32, #tpu.memory_space<hbm>> -> memref<1x1024xf32, #tpu.memory_space<hbm>>
      %dma_start3A_763 = tpu.memref_squeeze %dma_start3A_762 : memref<1x1024xf32, #tpu.memory_space<hbm>> -> memref<1024xf32, #tpu.memory_space<hbm>>
      %dma_start3A_764 = tpu.memref_slice %arg9[%multiple_of3A_754] : memref<3072xf32, #tpu.memory_space<vmem>> -> memref<1024xf32, #tpu.memory_space<vmem>>
      tpu.enqueue_dma source(%dma_start3A_764 : memref<1024xf32, #tpu.memory_space<vmem>>) target(%dma_start3A_763 : memref<1024xf32, #tpu.memory_space<hbm>>) target_semaphore(%arg12 : memref<!tpu.dma_semaphore, #tpu.memory_space<semaphore_mem>>)
      %slice3A_765 = vector.extract_strided_slice %get3A_671 {offsets = [6], sizes = [1], strides = [1]} : vector<16xi32> to vector<1xi32>
      %squeeze3A_766 = vector.extract %slice3A_765[0] : i32 from vector<1xi32>
      %mul3A_767 = arith.constant 1024 : i32
      %mul3A_768 = arith.muli %squeeze3A_766, %mul3A_767 : i32
      %multiple_of3A_769 = tpu.assume_multiple %mul3A_768, 8 : i32
      %add3A_770 = arith.constant 6 : i32
      %add3A_771 = arith.addi %add3A_674, %add3A_770 : i32
      %dma_start3A_772 = tpu.memref_slice %arg9[%multiple_of3A_769] : memref<3072xf32, #tpu.memory_space<vmem>> -> memref<1024xf32, #tpu.memory_space<vmem>>
      %dma_start3A_773 = arith.constant 0 : i32
      %dma_start3A_774 = tpu.memref_slice %arg6[%add3A_771, %dma_start3A_773] : memref<32768x1024xf32, #tpu.memory_space<hbm>> -> memref<1x1024xf32, #tpu.memory_space<hbm>>
      %dma_start3A_775 = tpu.memref_squeeze %dma_start3A_774 : memref<1x1024xf32, #tpu.memory_space<hbm>> -> memref<1024xf32, #tpu.memory_space<hbm>>
      %dma_start3A_776 = arith.constant 0 : i32
      %dma_start3A_777 = tpu.memref_slice %arg6[%add3A_771, %dma_start3A_776] : memref<32768x1024xf32, #tpu.memory_space<hbm>> -> memref<1x1024xf32, #tpu.memory_space<hbm>>
      %dma_start3A_778 = tpu.memref_squeeze %dma_start3A_777 : memref<1x1024xf32, #tpu.memory_space<hbm>> -> memref<1024xf32, #tpu.memory_space<hbm>>
      %dma_start3A_779 = tpu.memref_slice %arg9[%multiple_of3A_769] : memref<3072xf32, #tpu.memory_space<vmem>> -> memref<1024xf32, #tpu.memory_space<vmem>>
      tpu.enqueue_dma source(%dma_start3A_779 : memref<1024xf32, #tpu.memory_space<vmem>>) target(%dma_start3A_778 : memref<1024xf32, #tpu.memory_space<hbm>>) target_semaphore(%arg12 : memref<!tpu.dma_semaphore, #tpu.memory_space<semaphore_mem>>)
      %slice3A_780 = vector.extract_strided_slice %get3A_671 {offsets = [7], sizes = [1], strides = [1]} : vector<16xi32> to vector<1xi32>
      %squeeze3A_781 = vector.extract %slice3A_780[0] : i32 from vector<1xi32>
      %mul3A_782 = arith.constant 1024 : i32
      %mul3A_783 = arith.muli %squeeze3A_781, %mul3A_782 : i32
      %multiple_of3A_784 = tpu.assume_multiple %mul3A_783, 8 : i32
      %add3A_785 = arith.constant 7 : i32
      %add3A_786 = arith.addi %add3A_674, %add3A_785 : i32
      %dma_start3A_787 = tpu.memref_slice %arg9[%multiple_of3A_784] : memref<3072xf32, #tpu.memory_space<vmem>> -> memref<1024xf32, #tpu.memory_space<vmem>>
      %dma_start3A_788 = arith.constant 0 : i32
      %dma_start3A_789 = tpu.memref_slice %arg6[%add3A_786, %dma_start3A_788] : memref<32768x1024xf32, #tpu.memory_space<hbm>> -> memref<1x1024xf32, #tpu.memory_space<hbm>>
      %dma_start3A_790 = tpu.memref_squeeze %dma_start3A_789 : memref<1x1024xf32, #tpu.memory_space<hbm>> -> memref<1024xf32, #tpu.memory_space<hbm>>
      %dma_start3A_791 = arith.constant 0 : i32
      %dma_start3A_792 = tpu.memref_slice %arg6[%add3A_786, %dma_start3A_791] : memref<32768x1024xf32, #tpu.memory_space<hbm>> -> memref<1x1024xf32, #tpu.memory_space<hbm>>
      %dma_start3A_793 = tpu.memref_squeeze %dma_start3A_792 : memref<1x1024xf32, #tpu.memory_space<hbm>> -> memref<1024xf32, #tpu.memory_space<hbm>>
      %dma_start3A_794 = tpu.memref_slice %arg9[%multiple_of3A_784] : memref<3072xf32, #tpu.memory_space<vmem>> -> memref<1024xf32, #tpu.memory_space<vmem>>
      tpu.enqueue_dma source(%dma_start3A_794 : memref<1024xf32, #tpu.memory_space<vmem>>) target(%dma_start3A_793 : memref<1024xf32, #tpu.memory_space<hbm>>) target_semaphore(%arg12 : memref<!tpu.dma_semaphore, #tpu.memory_space<semaphore_mem>>)
      %slice3A_795 = vector.extract_strided_slice %get3A_671 {offsets = [8], sizes = [1], strides = [1]} : vector<16xi32> to vector<1xi32>
      %squeeze3A_796 = vector.extract %slice3A_795[0] : i32 from vector<1xi32>
      %mul3A_797 = arith.constant 1024 : i32
      %mul3A_798 = arith.muli %squeeze3A_796, %mul3A_797 : i32
      %multiple_of3A_799 = tpu.assume_multiple %mul3A_798, 8 : i32
      %add3A_800 = arith.constant 8 : i32
      %add3A_801 = arith.addi %add3A_674, %add3A_800 : i32
      %dma_start3A_802 = tpu.memref_slice %arg9[%multiple_of3A_799] : memref<3072xf32, #tpu.memory_space<vmem>> -> memref<1024xf32, #tpu.memory_space<vmem>>
      %dma_start3A_803 = arith.constant 0 : i32
      %dma_start3A_804 = tpu.memref_slice %arg6[%add3A_801, %dma_start3A_803] : memref<32768x1024xf32, #tpu.memory_space<hbm>> -> memref<1x1024xf32, #tpu.memory_space<hbm>>
      %dma_start3A_805 = tpu.memref_squeeze %dma_start3A_804 : memref<1x1024xf32, #tpu.memory_space<hbm>> -> memref<1024xf32, #tpu.memory_space<hbm>>
      %dma_start3A_806 = arith.constant 0 : i32
      %dma_start3A_807 = tpu.memref_slice %arg6[%add3A_801, %dma_start3A_806] : memref<32768x1024xf32, #tpu.memory_space<hbm>> -> memref<1x1024xf32, #tpu.memory_space<hbm>>
      %dma_start3A_808 = tpu.memref_squeeze %dma_start3A_807 : memref<1x1024xf32, #tpu.memory_space<hbm>> -> memref<1024xf32, #tpu.memory_space<hbm>>
      %dma_start3A_809 = tpu.memref_slice %arg9[%multiple_of3A_799] : memref<3072xf32, #tpu.memory_space<vmem>> -> memref<1024xf32, #tpu.memory_space<vmem>>
      tpu.enqueue_dma source(%dma_start3A_809 : memref<1024xf32, #tpu.memory_space<vmem>>) target(%dma_start3A_808 : memref<1024xf32, #tpu.memory_space<hbm>>) target_semaphore(%arg12 : memref<!tpu.dma_semaphore, #tpu.memory_space<semaphore_mem>>)
      %slice3A_810 = vector.extract_strided_slice %get3A_671 {offsets = [9], sizes = [1], strides = [1]} : vector<16xi32> to vector<1xi32>
      %squeeze3A_811 = vector.extract %slice3A_810[0] : i32 from vector<1xi32>
      %mul3A_812 = arith.constant 1024 : i32
      %mul3A_813 = arith.muli %squeeze3A_811, %mul3A_812 : i32
      %multiple_of3A_814 = tpu.assume_multiple %mul3A_813, 8 : i32
      %add3A_815 = arith.constant 9 : i32
      %add3A_816 = arith.addi %add3A_674, %add3A_815 : i32
      %dma_start3A_817 = tpu.memref_slice %arg9[%multiple_of3A_814] : memref<3072xf32, #tpu.memory_space<vmem>> -> memref<1024xf32, #tpu.memory_space<vmem>>
      %dma_start3A_818 = arith.constant 0 : i32
      %dma_start3A_819 = tpu.memref_slice %arg6[%add3A_816, %dma_start3A_818] : memref<32768x1024xf32, #tpu.memory_space<hbm>> -> memref<1x1024xf32, #tpu.memory_space<hbm>>
      %dma_start3A_820 = tpu.memref_squeeze %dma_start3A_819 : memref<1x1024xf32, #tpu.memory_space<hbm>> -> memref<1024xf32, #tpu.memory_space<hbm>>
      %dma_start3A_821 = arith.constant 0 : i32
      %dma_start3A_822 = tpu.memref_slice %arg6[%add3A_816, %dma_start3A_821] : memref<32768x1024xf32, #tpu.memory_space<hbm>> -> memref<1x1024xf32, #tpu.memory_space<hbm>>
      %dma_start3A_823 = tpu.memref_squeeze %dma_start3A_822 : memref<1x1024xf32, #tpu.memory_space<hbm>> -> memref<1024xf32, #tpu.memory_space<hbm>>
      %dma_start3A_824 = tpu.memref_slice %arg9[%multiple_of3A_814] : memref<3072xf32, #tpu.memory_space<vmem>> -> memref<1024xf32, #tpu.memory_space<vmem>>
      tpu.enqueue_dma source(%dma_start3A_824 : memref<1024xf32, #tpu.memory_space<vmem>>) target(%dma_start3A_823 : memref<1024xf32, #tpu.memory_space<hbm>>) target_semaphore(%arg12 : memref<!tpu.dma_semaphore, #tpu.memory_space<semaphore_mem>>)
      %slice3A_825 = vector.extract_strided_slice %get3A_671 {offsets = [10], sizes = [1], strides = [1]} : vector<16xi32> to vector<1xi32>
      %squeeze3A_826 = vector.extract %slice3A_825[0] : i32 from vector<1xi32>
      %mul3A_827 = arith.constant 1024 : i32
      %mul3A_828 = arith.muli %squeeze3A_826, %mul3A_827 : i32
      %multiple_of3A_829 = tpu.assume_multiple %mul3A_828, 8 : i32
      %add3A_830 = arith.constant 10 : i32
      %add3A_831 = arith.addi %add3A_674, %add3A_830 : i32
      %dma_start3A_832 = tpu.memref_slice %arg9[%multiple_of3A_829] : memref<3072xf32, #tpu.memory_space<vmem>> -> memref<1024xf32, #tpu.memory_space<vmem>>
      %dma_start3A_833 = arith.constant 0 : i32
      %dma_start3A_834 = tpu.memref_slice %arg6[%add3A_831, %dma_start3A_833] : memref<32768x1024xf32, #tpu.memory_space<hbm>> -> memref<1x1024xf32, #tpu.memory_space<hbm>>
      %dma_start3A_835 = tpu.memref_squeeze %dma_start3A_834 : memref<1x1024xf32, #tpu.memory_space<hbm>> -> memref<1024xf32, #tpu.memory_space<hbm>>
      %dma_start3A_836 = arith.constant 0 : i32
      %dma_start3A_837 = tpu.memref_slice %arg6[%add3A_831, %dma_start3A_836] : memref<32768x1024xf32, #tpu.memory_space<hbm>> -> memref<1x1024xf32, #tpu.memory_space<hbm>>
      %dma_start3A_838 = tpu.memref_squeeze %dma_start3A_837 : memref<1x1024xf32, #tpu.memory_space<hbm>> -> memref<1024xf32, #tpu.memory_space<hbm>>
      %dma_start3A_839 = tpu.memref_slice %arg9[%multiple_of3A_829] : memref<3072xf32, #tpu.memory_space<vmem>> -> memref<1024xf32, #tpu.memory_space<vmem>>
      tpu.enqueue_dma source(%dma_start3A_839 : memref<1024xf32, #tpu.memory_space<vmem>>) target(%dma_start3A_838 : memref<1024xf32, #tpu.memory_space<hbm>>) target_semaphore(%arg12 : memref<!tpu.dma_semaphore, #tpu.memory_space<semaphore_mem>>)
      %slice3A_840 = vector.extract_strided_slice %get3A_671 {offsets = [11], sizes = [1], strides = [1]} : vector<16xi32> to vector<1xi32>
      %squeeze3A_841 = vector.extract %slice3A_840[0] : i32 from vector<1xi32>
      %mul3A_842 = arith.constant 1024 : i32
      %mul3A_843 = arith.muli %squeeze3A_841, %mul3A_842 : i32
      %multiple_of3A_844 = tpu.assume_multiple %mul3A_843, 8 : i32
      %add3A_845 = arith.constant 11 : i32
      %add3A_846 = arith.addi %add3A_674, %add3A_845 : i32
      %dma_start3A_847 = tpu.memref_slice %arg9[%multiple_of3A_844] : memref<3072xf32, #tpu.memory_space<vmem>> -> memref<1024xf32, #tpu.memory_space<vmem>>
      %dma_start3A_848 = arith.constant 0 : i32
      %dma_start3A_849 = tpu.memref_slice %arg6[%add3A_846, %dma_start3A_848] : memref<32768x1024xf32, #tpu.memory_space<hbm>> -> memref<1x1024xf32, #tpu.memory_space<hbm>>
      %dma_start3A_850 = tpu.memref_squeeze %dma_start3A_849 : memref<1x1024xf32, #tpu.memory_space<hbm>> -> memref<1024xf32, #tpu.memory_space<hbm>>
      %dma_start3A_851 = arith.constant 0 : i32
      %dma_start3A_852 = tpu.memref_slice %arg6[%add3A_846, %dma_start3A_851] : memref<32768x1024xf32, #tpu.memory_space<hbm>> -> memref<1x1024xf32, #tpu.memory_space<hbm>>
      %dma_start3A_853 = tpu.memref_squeeze %dma_start3A_852 : memref<1x1024xf32, #tpu.memory_space<hbm>> -> memref<1024xf32, #tpu.memory_space<hbm>>
      %dma_start3A_854 = tpu.memref_slice %arg9[%multiple_of3A_844] : memref<3072xf32, #tpu.memory_space<vmem>> -> memref<1024xf32, #tpu.memory_space<vmem>>
      tpu.enqueue_dma source(%dma_start3A_854 : memref<1024xf32, #tpu.memory_space<vmem>>) target(%dma_start3A_853 : memref<1024xf32, #tpu.memory_space<hbm>>) target_semaphore(%arg12 : memref<!tpu.dma_semaphore, #tpu.memory_space<semaphore_mem>>)
      %slice3A_855 = vector.extract_strided_slice %get3A_671 {offsets = [12], sizes = [1], strides = [1]} : vector<16xi32> to vector<1xi32>
      %squeeze3A_856 = vector.extract %slice3A_855[0] : i32 from vector<1xi32>
      %mul3A_857 = arith.constant 1024 : i32
      %mul3A_858 = arith.muli %squeeze3A_856, %mul3A_857 : i32
      %multiple_of3A_859 = tpu.assume_multiple %mul3A_858, 8 : i32
      %add3A_860 = arith.constant 12 : i32
      %add3A_861 = arith.addi %add3A_674, %add3A_860 : i32
      %dma_start3A_862 = tpu.memref_slice %arg9[%multiple_of3A_859] : memref<3072xf32, #tpu.memory_space<vmem>> -> memref<1024xf32, #tpu.memory_space<vmem>>
      %dma_start3A_863 = arith.constant 0 : i32
      %dma_start3A_864 = tpu.memref_slice %arg6[%add3A_861, %dma_start3A_863] : memref<32768x1024xf32, #tpu.memory_space<hbm>> -> memref<1x1024xf32, #tpu.memory_space<hbm>>
      %dma_start3A_865 = tpu.memref_squeeze %dma_start3A_864 : memref<1x1024xf32, #tpu.memory_space<hbm>> -> memref<1024xf32, #tpu.memory_space<hbm>>
      %dma_start3A_866 = arith.constant 0 : i32
      %dma_start3A_867 = tpu.memref_slice %arg6[%add3A_861, %dma_start3A_866] : memref<32768x1024xf32, #tpu.memory_space<hbm>> -> memref<1x1024xf32, #tpu.memory_space<hbm>>
      %dma_start3A_868 = tpu.memref_squeeze %dma_start3A_867 : memref<1x1024xf32, #tpu.memory_space<hbm>> -> memref<1024xf32, #tpu.memory_space<hbm>>
      %dma_start3A_869 = tpu.memref_slice %arg9[%multiple_of3A_859] : memref<3072xf32, #tpu.memory_space<vmem>> -> memref<1024xf32, #tpu.memory_space<vmem>>
      tpu.enqueue_dma source(%dma_start3A_869 : memref<1024xf32, #tpu.memory_space<vmem>>) target(%dma_start3A_868 : memref<1024xf32, #tpu.memory_space<hbm>>) target_semaphore(%arg12 : memref<!tpu.dma_semaphore, #tpu.memory_space<semaphore_mem>>)
      %slice3A_870 = vector.extract_strided_slice %get3A_671 {offsets = [13], sizes = [1], strides = [1]} : vector<16xi32> to vector<1xi32>
      %squeeze3A_871 = vector.extract %slice3A_870[0] : i32 from vector<1xi32>
      %mul3A_872 = arith.constant 1024 : i32
      %mul3A_873 = arith.muli %squeeze3A_871, %mul3A_872 : i32
      %multiple_of3A_874 = tpu.assume_multiple %mul3A_873, 8 : i32
      %add3A_875 = arith.constant 13 : i32
      %add3A_876 = arith.addi %add3A_674, %add3A_875 : i32
      %dma_start3A_877 = tpu.memref_slice %arg9[%multiple_of3A_874] : memref<3072xf32, #tpu.memory_space<vmem>> -> memref<1024xf32, #tpu.memory_space<vmem>>
      %dma_start3A_878 = arith.constant 0 : i32
      %dma_start3A_879 = tpu.memref_slice %arg6[%add3A_876, %dma_start3A_878] : memref<32768x1024xf32, #tpu.memory_space<hbm>> -> memref<1x1024xf32, #tpu.memory_space<hbm>>
      %dma_start3A_880 = tpu.memref_squeeze %dma_start3A_879 : memref<1x1024xf32, #tpu.memory_space<hbm>> -> memref<1024xf32, #tpu.memory_space<hbm>>
      %dma_start3A_881 = arith.constant 0 : i32
      %dma_start3A_882 = tpu.memref_slice %arg6[%add3A_876, %dma_start3A_881] : memref<32768x1024xf32, #tpu.memory_space<hbm>> -> memref<1x1024xf32, #tpu.memory_space<hbm>>
      %dma_start3A_883 = tpu.memref_squeeze %dma_start3A_882 : memref<1x1024xf32, #tpu.memory_space<hbm>> -> memref<1024xf32, #tpu.memory_space<hbm>>
      %dma_start3A_884 = tpu.memref_slice %arg9[%multiple_of3A_874] : memref<3072xf32, #tpu.memory_space<vmem>> -> memref<1024xf32, #tpu.memory_space<vmem>>
      tpu.enqueue_dma source(%dma_start3A_884 : memref<1024xf32, #tpu.memory_space<vmem>>) target(%dma_start3A_883 : memref<1024xf32, #tpu.memory_space<hbm>>) target_semaphore(%arg12 : memref<!tpu.dma_semaphore, #tpu.memory_space<semaphore_mem>>)
      %slice3A_885 = vector.extract_strided_slice %get3A_671 {offsets = [14], sizes = [1], strides = [1]} : vector<16xi32> to vector<1xi32>
      %squeeze3A_886 = vector.extract %slice3A_885[0] : i32 from vector<1xi32>
      %mul3A_887 = arith.constant 1024 : i32
      %mul3A_888 = arith.muli %squeeze3A_886, %mul3A_887 : i32
      %multiple_of3A_889 = tpu.assume_multiple %mul3A_888, 8 : i32
      %add3A_890 = arith.constant 14 : i32
      %add3A_891 = arith.addi %add3A_674, %add3A_890 : i32
      %dma_start3A_892 = tpu.memref_slice %arg9[%multiple_of3A_889] : memref<3072xf32, #tpu.memory_space<vmem>> -> memref<1024xf32, #tpu.memory_space<vmem>>
      %dma_start3A_893 = arith.constant 0 : i32
      %dma_start3A_894 = tpu.memref_slice %arg6[%add3A_891, %dma_start3A_893] : memref<32768x1024xf32, #tpu.memory_space<hbm>> -> memref<1x1024xf32, #tpu.memory_space<hbm>>
      %dma_start3A_895 = tpu.memref_squeeze %dma_start3A_894 : memref<1x1024xf32, #tpu.memory_space<hbm>> -> memref<1024xf32, #tpu.memory_space<hbm>>
      %dma_start3A_896 = arith.constant 0 : i32
      %dma_start3A_897 = tpu.memref_slice %arg6[%add3A_891, %dma_start3A_896] : memref<32768x1024xf32, #tpu.memory_space<hbm>> -> memref<1x1024xf32, #tpu.memory_space<hbm>>
      %dma_start3A_898 = tpu.memref_squeeze %dma_start3A_897 : memref<1x1024xf32, #tpu.memory_space<hbm>> -> memref<1024xf32, #tpu.memory_space<hbm>>
      %dma_start3A_899 = tpu.memref_slice %arg9[%multiple_of3A_889] : memref<3072xf32, #tpu.memory_space<vmem>> -> memref<1024xf32, #tpu.memory_space<vmem>>
      tpu.enqueue_dma source(%dma_start3A_899 : memref<1024xf32, #tpu.memory_space<vmem>>) target(%dma_start3A_898 : memref<1024xf32, #tpu.memory_space<hbm>>) target_semaphore(%arg12 : memref<!tpu.dma_semaphore, #tpu.memory_space<semaphore_mem>>)
      %slice3A_900 = vector.extract_strided_slice %get3A_671 {offsets = [15], sizes = [1], strides = [1]} : vector<16xi32> to vector<1xi32>
      %squeeze3A_901 = vector.extract %slice3A_900[0] : i32 from vector<1xi32>
      %mul3A_902 = arith.constant 1024 : i32
      %mul3A_903 = arith.muli %squeeze3A_901, %mul3A_902 : i32
      %multiple_of3A_904 = tpu.assume_multiple %mul3A_903, 8 : i32
      %add3A_905 = arith.constant 15 : i32
      %add3A_906 = arith.addi %add3A_674, %add3A_905 : i32
      %dma_start3A_907 = tpu.memref_slice %arg9[%multiple_of3A_904] : memref<3072xf32, #tpu.memory_space<vmem>> -> memref<1024xf32, #tpu.memory_space<vmem>>
      %dma_start3A_908 = arith.constant 0 : i32
      %dma_start3A_909 = tpu.memref_slice %arg6[%add3A_906, %dma_start3A_908] : memref<32768x1024xf32, #tpu.memory_space<hbm>> -> memref<1x1024xf32, #tpu.memory_space<hbm>>
      %dma_start3A_910 = tpu.memref_squeeze %dma_start3A_909 : memref<1x1024xf32, #tpu.memory_space<hbm>> -> memref<1024xf32, #tpu.memory_space<hbm>>
      %dma_start3A_911 = arith.constant 0 : i32
      %dma_start3A_912 = tpu.memref_slice %arg6[%add3A_906, %dma_start3A_911] : memref<32768x1024xf32, #tpu.memory_space<hbm>> -> memref<1x1024xf32, #tpu.memory_space<hbm>>
      %dma_start3A_913 = tpu.memref_squeeze %dma_start3A_912 : memref<1x1024xf32, #tpu.memory_space<hbm>> -> memref<1024xf32, #tpu.memory_space<hbm>>
      %dma_start3A_914 = tpu.memref_slice %arg9[%multiple_of3A_904] : memref<3072xf32, #tpu.memory_space<vmem>> -> memref<1024xf32, #tpu.memory_space<vmem>>
      tpu.enqueue_dma source(%dma_start3A_914 : memref<1024xf32, #tpu.memory_space<vmem>>) target(%dma_start3A_913 : memref<1024xf32, #tpu.memory_space<hbm>>) target_semaphore(%arg12 : memref<!tpu.dma_semaphore, #tpu.memory_space<semaphore_mem>>)
    }
    %scan3A_660 = arith.constant 64 : i32
    %scan3A_661 = arith.constant 0 : i32
    %scan3A_662 = arith.constant 0 : i32
    %scan3A_663 = arith.constant 1024 : i32
    %scan3A_664 = arith.addi %scan3A_662, %scan3A_663 : i32
    %scan3A_665 = arith.constant 1 : i32
    scf.for %scan3A_667 = %scan3A_662 to %scan3A_664 step %scan3A_665  : i32 {
      %dma_wait3A_668 = arith.constant 0 : i32
      %dma_wait3A_669 = tpu.memref_slice %arg9[%dma_wait3A_668] : memref<3072xf32, #tpu.memory_space<vmem>> -> memref<1024xf32, #tpu.memory_space<vmem>>
      %dma_wait3A_670 = arith.constant 0 : i32
      %dma_wait3A_671 = tpu.memref_slice %arg6[%mul3A_2, %dma_wait3A_670] : memref<32768x1024xf32, #tpu.memory_space<hbm>> -> memref<1x1024xf32, #tpu.memory_space<hbm>>
      %dma_wait3A_672 = tpu.memref_squeeze %dma_wait3A_671 : memref<1x1024xf32, #tpu.memory_space<hbm>> -> memref<1024xf32, #tpu.memory_space<hbm>>
      %dma_wait3A_673 = arith.constant 0 : i32
      %dma_wait3A_674 = tpu.memref_slice %arg6[%mul3A_2, %dma_wait3A_673] : memref<32768x1024xf32, #tpu.memory_space<hbm>> -> memref<1x1024xf32, #tpu.memory_space<hbm>>
      %dma_wait3A_675 = tpu.memref_squeeze %dma_wait3A_674 : memref<1x1024xf32, #tpu.memory_space<hbm>> -> memref<1024xf32, #tpu.memory_space<hbm>>
      %dma_wait3A_676 = arith.constant 0 : i32
      %dma_wait3A_677 = tpu.memref_slice %arg9[%dma_wait3A_676] : memref<3072xf32, #tpu.memory_space<vmem>> -> memref<1024xf32, #tpu.memory_space<vmem>>
      tpu.wait_dma2 semaphore(%arg12 : memref<!tpu.dma_semaphore, #tpu.memory_space<semaphore_mem>>) src(%dma_wait3A_677 : memref<1024xf32, #tpu.memory_space<vmem>>) dst(%dma_wait3A_675 : memref<1024xf32, #tpu.memory_space<hbm>>)
    }
    %scan3A_666 = arith.constant 1024 : i32
    return
  }
}

</mosaic_0001>

<sc_bundles>
// kernel: kernel.3.cloned.1.call-start
scs
__scs_entry_jumppad:
0x0: {  	(pc) =	sbr.rel $0x88, $3  }
0x1: {  	(tag) =	ssettag $0x0;
	lr =	simm.s32 $0x1  }
0x2: {  	[smem:$0x3F9D] =	sst lr;
	_ =	strace $0xD0000000  }
0x3: {  	_ = 	snop  }
0x4: {  	_ = 	snop  }
0x5: {  	_ = 	snop  }
0x6: {  	_ = 	snop  }
0x7: {  	_ = 	snop  }
__scs_overlays_trampoline_lowered:
0x8: {  	[smem:$0x3FAC] =	sst s0  }
0x9: {  	[smem:$0x3FAD] =	sst s1  }
0xa: {  	[smem:$0x3FAE] =	sst s2  }
0xb: {  	[smem:$0x3FAF] =	sst s3  }
0xc: {  	[smem:$0x3FB0] =	sst s4  }
0xd: {  	[smem:$0x3FB1] =	sst s5  }
0xe: {  	[smem:$0x3FB2] =	sst s6  }
0xf: {  	[smem:$0x3FB3] =	sst s7  }
0x10: {  	[smem:$0x3FB4] =	sst s8  }
0x11: {  	[smem:$0x3FB5] =	sst s9;
	s0 =	simm.s32 @!p0 $0x0  }
0x12: {  	s1 =	sld [smem:$0x3F9B];
	s0 =	simm.s32 @p0 $0x1  }
0x13: {  	[smem:$0x3FB6] =	sst s0;
	s0 =	simm.s32 @!p1 $0x0  }
0x14: {  	s2 =	sld [smem:$0x3F9A];
	s0 =	simm.s32 @p1 $0x1  }
0x15: {  	[smem:$0x3FB7] =	sst s0;
	s0 =	simm.s32 @!p2 $0x0  }
0x16: {  	s3 =	sld [smem:$0x3FDB];
	s0 =	simm.s32 @p2 $0x1  }
0x17: {  	s4 =	simm.s32 $0x1BF5;
	[smem:$0x3FB9] =	sst s0  }
0x18: {  	s0 =	sld [smem:$0x3F9C];
	_ =	swait.ge [sflag:s4], $0x0  }
0x19: {  	s7 =	sld [smem:$0x3F9D]  }
0x1a: {  	s8 =	sadd.s32 $0xFFFFE003, lr  }
0x1b: {  	s9 =	sadd.s32 $0xFFFFFEF7, lr;
	s5 =	simm.s32 $0xFFFFFFFF;
	p2 =	slt.u32 s8, $0xFFFFF086  }
0x1c: {  	p1 =	slt.u32 s9, $0xF7A;
	s5 =	simm.s32 @!p2 $0x0  }
0x1d: {  	s5 =	simm.s32 @p1 $0x1;
	p0 =	seq.s32 s7, s2  }
0x1e: {  	s7 =	smul.u32 @!p0 $0xF7A, s2;
	p2 =	seq.s32 @!p0 s5, $0x0  }
0x1f: {  	s9 =	smul.u32 $0xF7A, s1;
	s8 =	simm.s32 @!p0 $0x1BF5;
	p2 =	por !p2, p0  }
0x20: {  	[sflag:s8] =	ssyncset.s32 @!p0 $0xFFFFF086;
	s6 =	sadd.s32 @!p0 s3, s7;
	s7 =	simm.s32 @!p0 $0x108  }
0x21: {  	s3 =	sadd.s32 s3, s9;
	s6 =	sadd.s32 @!p0 $0x88, s6;
	s7 =	simm.s32 @p2 $0x1082  }
0x22: {  	[simem:s7], [sflag:s8] =	dma.local @!p0 [hbm:s6], $0xF7A  }
0x23: {  	s9 =	sor.u32 $0xD0000000, s2;
	s6 =	simm.s32 $0x108;
	_ =	swait.ge @!p0 [sflag:s8], $0x0  }
0x24: {  	s3 =	sadd.s32 $0x88, s3;
	s6 =	simm.s32 @!p1 $0x1082;
	[sflag:s4] =	ssyncset.s32 $0xFFFFF086  }
0x25: {  	[simem:s6], [sflag:s4] =	dma.local [hbm:s3], $0xF7A  }
0x26: {  	[smem:$0x3F9D] =	sst s1;
	(tag) =	ssettag s2;
	_ =	strace s9  }
0x27: {  	s1 =	sld [smem:$0x3FAD]  }
0x28: {  	s2 =	sld [smem:$0x3FAE]  }
0x29: {  	s4 =	sld [smem:$0x3FB0]  }
0x2a: {  	p0 =	seq.s32 s5, $0x0;
	s5 =	sld [smem:$0x3FB1]  }
0x2b: {  	s6 =	sld [smem:$0x3FB2]  }
0x2c: {  	s7 =	sld [smem:$0x3FB3]  }
0x2d: {  	s3 =	simm.s32 $0x108;
	s8 =	sld [smem:$0x3FB4]  }
0x2e: {  	s3 =	simm.s32 @!p0 $0x1082;
	s9 =	sld [smem:$0x3FB5]  }
0x2f: {  	lr =	sadd.s32 s0, s3;
	s0 =	sld [smem:$0x3FAC]  }
0x30: {  	s3 =	sld [smem:$0x3FAF]  }
0x31: {  	[smem:$0x3FB8] =	sst s10  }
0x32: {  	s10 =	sld [smem:$0x3FB6];
	_ =	sdelay $0x3  }
0x33: {  	p0 =	seq.s32 s10, $0x1;
	s10 =	sld [smem:$0x3FB8];
	_ =	sdelay $0x3  }
0x34: {  	[smem:$0x3FB8] =	sst s10  }
0x35: {  	s10 =	sld [smem:$0x3FB7];
	_ =	sdelay $0x3  }
0x36: {  	p1 =	seq.s32 s10, $0x1;
	s10 =	sld [smem:$0x3FB8];
	_ =	sdelay $0x3  }
0x37: {  	[smem:$0x3FB8] =	sst s10  }
0x38: {  	s10 =	sld [smem:$0x3FB9]  }
0x39: {  	_ = 	snop;
	(pc) =	sbr.ind lr, $3  }
0x3a: {  	_ = 	snop  }
0x3b: {  	_ = 	snop  }
0x3c: {  	p2 =	seq.s32 s10, $0x1;
	s10 =	sld [smem:$0x3FB8]  }
0x3d: {  	_ =	shalt  }
0x3e: {  	_ =	shalt  }
0x3f: {  	_ =	shalt  }
0x40: {  	_ =	shalt  }
0x41: {  	_ =	shalt  }
0x42: {  	_ =	shalt  }
0x43: {  	_ =	shalt  }
0x44: {  	_ =	shalt  }
0x45: {  	_ =	shalt  }
0x46: {  	_ =	shalt  }
0x47: {  	_ =	shalt  }
0x48: {  	_ =	shalt  }
0x49: {  	_ =	shalt  }
0x4a: {  	_ =	shalt  }
0x4b: {  	_ =	shalt  }
0x4c: {  	_ =	shalt  }
0x4d: {  	_ =	shalt  }
0x4e: {  	_ =	shalt  }
0x4f: {  	_ =	shalt  }
0x50: {  	_ =	shalt  }
0x51: {  	_ =	shalt  }
0x52: {  	_ =	shalt  }
0x53: {  	_ =	shalt  }
0x54: {  	_ =	shalt  }
0x55: {  	_ =	shalt  }
0x56: {  	_ =	shalt  }
0x57: {  	_ =	shalt  }
0x58: {  	_ =	shalt  }
0x59: {  	_ =	shalt  }
0x5a: {  	_ =	shalt  }
0x5b: {  	_ =	shalt  }
0x5c: {  	_ =	shalt  }
0x5d: {  	_ =	shalt  }
0x5e: {  	_ =	shalt  }
0x5f: {  	_ =	shalt  }
0x60: {  	_ =	shalt  }
0x61: {  	_ =	shalt  }
0x62: {  	_ =	shalt  }
0x63: {  	_ =	shalt  }
0x64: {  	_ =	shalt  }
0x65: {  	_ =	shalt  }
0x66: {  	_ =	shalt  }
0x67: {  	_ =	shalt  }
0x68: {  	_ =	shalt  }
0x69: {  	_ =	shalt  }
0x6a: {  	_ =	shalt  }
0x6b: {  	_ =	shalt  }
0x6c: {  	_ =	shalt  }
0x6d: {  	_ =	shalt  }
0x6e: {  	_ =	shalt  }
0x6f: {  	_ =	shalt  }
0x70: {  	_ =	shalt  }
0x71: {  	_ =	shalt  }
0x72: {  	_ =	shalt  }
0x73: {  	_ =	shalt  }
0x74: {  	_ =	shalt  }
0x75: {  	_ =	shalt  }
0x76: {  	_ =	shalt  }
0x77: {  	_ =	shalt  }
0x78: {  	_ =	shalt  }
0x79: {  	_ =	shalt  }
0x7a: {  	_ =	shalt  }
0x7b: {  	_ =	shalt  }
0x7c: {  	_ =	shalt  }
0x7d: {  	_ =	shalt  }
0x7e: {  	_ =	shalt  }
0x7f: {  	_ =	shalt  }
0x80: {  	_ =	shalt  }
0x81: {  	_ =	shalt  }
0x82: {  	_ =	shalt  }
0x83: {  	_ =	shalt  }
0x84: {  	_ =	shalt  }
0x85: {  	_ =	shalt  }
0x86: {  	_ =	shalt  }
0x87: {  	_ =	shalt  }
.Lfunc_end0:
.L_simem_size_0:
called_computation_lowered:
.L_overlay_start_0:
0x88: {  	s2 =	sld [smem:$0x3FD9]  }
0x89: {  	s3 =	sld [smem:$0x3FFE];
	_ =	sdelay $0x1  }
0x8a: {  	s1 =	srdreg.scid  }
0x8b: {  	s0 =	sand.u32 $0x1, s1  }
0x8c: {  	s17 =	sshll.u32 s0, $0xA;
	s2 =	sadd.s32 s3, s2  }
0x8d: {  	s2 =	sadd.s32 s2, s17  }
0x8e: {  	[smem:$0x3FC4] =	sst s2  }
0x8f: {  	_ = 	snop  }
0x90: {  	s2 =	sld [smem:$0x3FC9]  }
0x91: {  	s18 =	sld [smem:$0x3FC7]  }
0x92: {  	s4 =	sld [smem:$0x3FC6]  }
0x93: {  	s5 =	sld [smem:$0x3FD0];
	(tm) =	ssettm $0x1  }
0x94: {  	s6 =	sld [smem:$0x3FFB];
	_ =	sdelay $0x3  }
0x95: {  	_ =	strace s6  }
0x96: {  	s6 =	sld [smem:$0x3FFC];
	_ =	sdelay $0x3  }
0x97: {  	_ =	strace s6  }
0x98: {  	s6 =	sld [smem:$0x3FFD];
	_ =	sdelay $0x3  }
0x99: {  	_ =	strace s6  }
0x9a: {  	_ =	strace $0x8FFFFFFF  }
0x9b: {  	s19 =	sld [smem:$0x3FDB];
	_ =	sdelay $0x1  }
0x9c: {  	s7 =	simm.s32 $_scs_section_size  }
0x9d: {  	s8 =	simm.s32 $_size__tile_overlayer_lowered;
	s9 =	simm.s32 $_tile_overlayer_lowered  }
0x9e: {  	s22 =	simm.s32 $0x1BFF;
	s21 =	sshll.u32 s9, $0x1;
	s6 =	sadd.s32 s7, s19  }
0x9f: {  	s10 =	simm.s32 $0x0;
	s20 =	sshll.u32 s8, $0x1;
	s8 =	sadd.s32 s21, s6  }
0xa0: {  	[timem:s10], [sflag:s22] =	dma.local [hbm:s8], s20  }
0xa1: {  	_ =	swait.ge [sflag:s22], s20  }
0xa2: {  	s7 =	ssub.s32 $0x0, s20;
	[sflag:s22] =	ssyncset.done $0x0  }
0xa3: {  	[sflag:s22] =	ssyncadd.s32 s7;
	_ =	sdelay $0x1  }
0xa4: {  	s23 =	simm.s32 $0x1B8B  }
0xa5: {  	_ =	swait.ge [sflag:s23], $0x1  }
0xa6: {  	[sflag:s23] =	ssyncset.done $0x0  }
0xa7: {  	s25 =	simm.s32 $0x1B8E;
	s24 =	sld [smem:$0x3FFE];
	[sflag:s23] =	ssyncadd.s32 $0xFFFFFFFF  }
0xa8: {  	s26 =	simm.s32 $execute0_lowered;
	[smem:$0x3FD2] =	sst s25  }
0xa9: {  	s8 =	sshll.u32 s26, $0x1;
	_ =	strace $0x80000046;
	[dreg:$0x1] =	wrdreg $0xFFFFFFFF  }
0xaa: {  	s28 =	simm.s32 $_size_execute0_lowered;
	s6 =	sadd.s32 s6, s8;
	[dreg:$0x0] =	wrdreg $0x0  }
0xab: {  	s8 =	sshll.u32 s28, $0x1;
	[dreg:$0x2] =	wrdreg s6  }
0xac: {  	[dreg:$0x3] =	wrdreg s8  }
0xad: {  	[dreg:$0x4] =	wrdreg $0xC0  }
0xae: {  	_ =	task [dreg:s10], $0x5FFFF  }
0xaf: {  	[dreg:$0x1] =	wrdreg $0xFFFFFFFF  }
0xb0: {  	[dreg:$0x0] =	wrdreg $0x60  }
0xb1: {  	[dreg:$0x2] =	wrdreg s24  }
0xb2: {  	[dreg:$0x3] =	wrdreg s18  }
0xb3: {  	[dreg:$0x4] =	wrdreg s4  }
0xb4: {  	[dreg:$0x5] =	wrdreg s2  }
0xb5: {  	[dreg:$0x6] =	wrdreg s5  }
0xb6: {  	[dreg:$0x7] =	wrdreg $0x9  }
0xb7: {  	_ =	task.clear_ibuf [dreg:s10], $0x8FFFF;
	_ =	strace $0x90000046  }
0xb8: {  	s29 =	simm.s32 $0x9;
	_ =	strace $0x80000048  }
0xb9: {  	_ =	swait.ge [sflag:s29], $0x1  }
0xba: {  	[sflag:s29] =	ssyncadd.s32 $0xFFFFFFFF  }
0xbb: {  	_ =	strace $0x90000048  }
0xbc: {  	_ =	sfence  }
0xbd: {  	s30 =	sld [smem:$0x0];
	_ =	sdelay $0x2  }
0xbe: {  	s31 =	sshll.u32 s1, $0xD;
	s1 =	sshrl.u32 s1, $0x2  }
0xbf: {  	s3 =	sand.u32 $0x4000, s31;
	s1 =	sadd.s32 s1, s30  }
0xc0: {  	s0 =	sor.u32 s3, s0;
	s1 =	sshll.u32 s1, $0x11  }
0xc1: {  	s0 =	sor.u32 s1, s0  }
0xc2: {  	s0 =	sadd.s32 $0x8F2B, s0  }
0xc3: {  	[sflag:s0] =	ssyncadd.remote.s32 $0x1  }
0xc4: {  	_ =	sfence.sel $0xFFFF  }
0xc5: {  	[dreg:$0x0] =	wrdreg $0xFFFFFFFF;
	(pc) =	sbr.abs _section_cstart, $3  }
0xc6: {  	[dreg:$0x1] =	wrdreg $0xFFFFFFFF  }
0xc7: {  	_ =	task.clear_ibuf [dreg:s10], $0x2FFFF;
	_ =	strace $0x9FFFFFFF  }
0xc8: {  	(tm) =	ssettm $0x7FFFFFFF  }
0xc9: {  	_ =	shalt  }
tec
execute0_lowered:
.L_overlay_start_1:
0x0: {  	(tag) =	ssettag $0x1  }
0x1: {  	s4 =	rddreg [dreg:$0x0]  }
0x2: {  	s2 =	rddreg [dreg:$0x2]  }
0x3: {  	s6 =	rddreg [dreg:$0x3]  }
0x4: {  	s7 =	rddreg [dreg:$0x4]  }
0x5: {  	s3 =	simm.s32 $0x0;
	s5 =	srdreg.scid;
	s0 =	stileid.u32  }
0x6: {  	s13 =	simm.s32 $0x2000;
	s14 =	simm.s32 $0x2;
	s15 =	simm.s32 $0x1  }
0x7: {  	s16 =	simm.s32 $0x0;
	[smem:$0x7FF] =	sst s3;
	s8 =	sand.u32 $0x1, s5  }
0x8: {  	s5 =	sadd.s32 $0x400, s4;
	s30 =	sshll.u32 s0, $0xA;
	s31 =	sshll.u32 s0, $0x2  }
0x9: {  	s12 =	sshll.u32 s0, $0x12;
	_ =	strace $0x80000047;
	s9 =	ssub.s32 $0x2, s8  }
0xa: {  	s11 =	sshll.u32 s8, $0x9;
	s7 =	sadd.s32 s12, s7;
	s8 =	sshll.u32 s8, $0x11  }
0xb: {  	s12 =	simm.s32 $0x1C00;
	s10 =	sshrl.u32 s9, $0x1;
	s8 =	sadd.s32 s8, s7  }
0xc: {  	s9 =	ssub.s32 s9, s10;
	s10 =	sor.u32 s11, s30;
	s11 =	sand.u32 $0x30, s31  }
0xd: {  	[dreg:$0x6] =	wrdreg s8;
	s8 =	simm.s32 $0x80;
	s10 =	sand.u32 $0xE00, s10  }
0xe: {  	s6 =	sadd.s32 s6, s11;
	s7 =	smax.u32 s9, $0x1;
	s9 =	simm.s32 $0x200  }
0xf: {  	s11 =	simm.s32 $0x3;
	s6 =	sadd.s32 s10, s6;
	s10 =	simm.s32 $0x400  }
.LBB2_1:
0x10: {  	[tilespmem:s3], [sflag:$0x2] =	stream.strided.gather [hbm4b:s6+s8], $0x400, s9, s8, $0x38;
	[tilespmem:$0x2400] =	vst v63  }
0x11: {  	_ = 	snop  }
0x12: {  	[tilespmem:s10], [sflag:$0x3] =	stream.linear.gather [hbm4b:s5+s3], $0xC00, $0x38;
	[tilespmem:$0x2400] =	vst v63  }
0x13: {  	_ =	swait.ge [sflag:s11], $0xC00  }
0x14: {  	[sflag:s11] =	ssyncset.done $0x0  }
0x15: {  	[sflag:s11] =	ssyncadd.s32 $0xFFFFF400  }
0x16: {  	s0 =	rddreg [dreg:$0x1]  }
0x17: {  	[tilespmem:s12], [sflag:$0x3] =	stream.linear.gather [hbm4b:s0+s3], $0x400, $0x38;
	[tilespmem:$0x2400] =	vst v63  }
0x18: {  	_ =	swait.ge [sflag:s11], $0x400  }
0x19: {  	[sflag:s11] =	ssyncset.done $0x0  }
0x1a: {  	[sflag:s11] =	ssyncadd.s32 $0xFFFFFC00  }
0x1b: {  	[tilespmem:s13], [sflag:$0x3] =	stream.linear.gather [hbm4b:s2+s3], $0x400, $0x38;
	[tilespmem:$0x2400] =	vst v63  }
0x1c: {  	_ =	swait.ge [sflag:s11], $0x400  }
0x1d: {  	[sflag:s11] =	ssyncset.done $0x0  }
0x1e: {  	s18 =	simm.s32 $0x0;
	[sflag:s11] =	ssyncadd.s32 $0xFFFFFC00  }
0x1f: {  	v1 =	vld [tilespmem:s18+$0x400]  }
0x20: {  	v2 =	vimm.f32 $0.0e+00;
	s17 =	simm.s32 $0x40;
	v0 =	vimm.f32 $0.0e+00  }
.LBB2_2:
0x21: {  	p0 =	sne.s32 s17, $0xFC0  }
.Ltmp0:
0x22: {  	_ = 	snop;
	(pc) =	sbr.rel @p0 .LBB2_2-.Ltmp0, $4  }
0x23: {  	_ = 	snop  }
0x24: {  	s18 =	sshra.s32 s17, $0x2;
	s17 =	sadd.s32 $0x40, s17;
	v2 =	vadd.f32 v1, v2;
	v3 =	vmul.f32 v1, v1  }
0x25: {  	v1 =	vld [tilespmem:s18+$0x400]  }
0x26: {  	v0 =	vadd.f32 v3, v0  }
0x27: {  	_ =	sdelay $0x2  }
0x28: {  	v2 =	vadd.f32 v1, v2;
	_ =	sdelay $0x1  }
0x29: {  	(v2sf) =	vpush v2, $0x0  }
0x2a: {  	(v2sf) =	vpush v2, $0x1  }
0x2b: {  	(v2sf) =	vpush v2, $0x2  }
0x2c: {  	(v2sf) =	vpush v2, $0x3  }
0x2d: {  	(v2sf) =	vpush v2, $0x4  }
0x2e: {  	(v2sf) =	vpush v2, $0x5  }
0x2f: {  	(v2sf) =	vpush v2, $0x6  }
0x30: {  	(v2sf) =	vpush v2, $0x7  }
0x31: {  	(v2sf) =	vpush v2, $0x8  }
0x32: {  	(v2sf) =	vpush v2, $0x9  }
0x33: {  	(v2sf) =	vpush v2, $0xA  }
0x34: {  	(v2sf) =	vpush v2, $0xB  }
0x35: {  	v1 =	vmul.f32 v1, v1;
	(v2sf) =	vpush v2, $0xC  }
0x36: {  	(v2sf) =	vpush v2, $0xD  }
0x37: {  	v0 =	vadd.f32 v1, v0;
	(v2sf) =	vpush v2, $0xE  }
0x38: {  	s17 =	spop (v2sf);
	(v2sf) =	vpush v2, $0xF  }
0x39: {  	s18 =	spop (v2sf);
	(v2sf) =	vpush v0, $0x0  }
0x3a: {  	s19 =	spop (v2sf);
	(v2sf) =	vpush v0, $0x1  }
0x3b: {  	s20 =	spop (v2sf)  }
0x3c: {  	(v2sf) =	vpush v0, $0x2;
	s21 =	spop (v2sf)  }
0x3d: {  	s22 =	spop (v2sf)  }
0x3e: {  	(v2sf) =	vpush v0, $0x3;
	s23 =	spop (v2sf)  }
0x3f: {  	s24 =	spop (v2sf)  }
0x40: {  	(v2sf) =	vpush v0, $0x4;
	s25 =	spop (v2sf)  }
0x41: {  	s26 =	spop (v2sf)  }
0x42: {  	(v2sf) =	vpush v0, $0x5;
	s28 =	spop (v2sf)  }
0x43: {  	s29 =	spop (v2sf)  }
0x44: {  	(v2sf) =	vpush v0, $0x6;
	s30 =	spop (v2sf)  }
0x45: {  	s17 =	sadd.f32 $0.0e+00, s17;
	s31 =	spop (v2sf)  }
0x46: {  	(v2sf) =	vpush v0, $0x7;
	s0 =	spop (v2sf)  }
0x47: {  	s17 =	sadd.f32 s17, s18;
	s4 =	spop (v2sf)  }
0x48: {  	(v2sf) =	vpush v0, $0x8;
	s1 =	spop (v2sf)  }
0x49: {  	s17 =	sadd.f32 s17, s19;
	s18 =	spop (v2sf)  }
0x4a: {  	(v2sf) =	vpush v0, $0x9;
	s1 =	sadd.f32 s18, s1  }
0x4b: {  	s17 =	sadd.f32 s17, s20;
	s19 =	spop (v2sf)  }
0x4c: {  	(v2sf) =	vpush v0, $0xA;
	s1 =	sadd.f32 s1, s19  }
0x4d: {  	s17 =	sadd.f32 s17, s21;
	s20 =	spop (v2sf)  }
0x4e: {  	(v2sf) =	vpush v0, $0xB;
	s1 =	sadd.f32 s1, s20  }
0x4f: {  	s17 =	sadd.f32 s17, s22;
	s21 =	spop (v2sf)  }
0x50: {  	(v2sf) =	vpush v0, $0xC;
	s1 =	sadd.f32 s1, s21  }
0x51: {  	s17 =	sadd.f32 s17, s23;
	s22 =	spop (v2sf)  }
0x52: {  	(v2sf) =	vpush v0, $0xD;
	s1 =	sadd.f32 s1, s22  }
0x53: {  	s17 =	sadd.f32 s17, s24;
	s23 =	spop (v2sf)  }
0x54: {  	(v2sf) =	vpush v0, $0xE;
	s1 =	sadd.f32 s1, s23  }
0x55: {  	s17 =	sadd.f32 s17, s25;
	s24 =	spop (v2sf)  }
0x56: {  	(v2sf) =	vpush v0, $0xF;
	s1 =	sadd.f32 s1, s24  }
0x57: {  	s17 =	sadd.f32 s17, s26;
	s19 =	spop (v2sf)  }
0x58: {  	s1 =	sadd.f32 s1, s19  }
0x59: {  	s17 =	sadd.f32 s17, s28;
	s20 =	spop (v2sf)  }
0x5a: {  	s1 =	sadd.f32 s1, s20  }
0x5b: {  	s17 =	sadd.f32 s17, s29;
	s21 =	spop (v2sf)  }
0x5c: {  	s1 =	sadd.f32 s1, s21  }
0x5d: {  	s17 =	sadd.f32 s17, s30;
	s22 =	spop (v2sf)  }
0x5e: {  	s1 =	sadd.f32 s1, s22  }
0x5f: {  	s17 =	sadd.f32 s17, s31;
	s23 =	spop (v2sf)  }
0x60: {  	s1 =	sadd.f32 s1, s23  }
0x61: {  	s0 =	sadd.f32 s17, s0;
	s24 =	spop (v2sf)  }
0x62: {  	s1 =	sadd.f32 s1, s24  }
0x63: {  	s0 =	sadd.f32 s0, s4;
	s25 =	spop (v2sf)  }
0x64: {  	s1 =	sadd.f32 s1, s25  }
0x65: {  	s28 =	smul.f32 $9.765625000e-04, s0;
	s26 =	spop (v2sf)  }
0x66: {  	s1 =	sadd.f32 s1, s26  }
0x67: {  	s30 =	smul.f32 s28, s28  }
0x68: {  	s29 =	smul.f32 $9.765625000e-04, s1;
	_ =	sdelay $0x1  }
0x69: {  	s0 =	ssub.f32 s29, s30;
	_ =	sdelay $0x1  }
0x6a: {  	s31 =	sadd.f32 $9.999999960e-13, s0;
	_ =	sdelay $0x1  }
0x6b: {  	v0 =	vmov s31  }
0x6c: {  	v0 =	vadd.f32 $1.000000000e+00, v0;
	_ =	sdelay $0x1  }
0x6d: {  	v0 =	vmul.f32 $5.000000000e-01, v0;
	_ =	sdelay $0x1  }
0x6e: {  	(erf) = vrcp.f32 v0;
	_ =	sdelay $0x8  }
0x6f: {  	v1 =	vpop (erf)  }
0x70: {  	v1 =	vmul.f32 s31, v1;
	_ =	sdelay $0x1  }
0x71: {  	v0 =	vadd.f32 v1, v0;
	_ =	sdelay $0x1  }
0x72: {  	v0 =	vmul.f32 $5.000000000e-01, v0;
	_ =	sdelay $0x1  }
0x73: {  	(erf) = vrcp.f32 v0;
	_ =	sdelay $0x8  }
0x74: {  	v1 =	vpop (erf)  }
0x75: {  	v1 =	vmul.f32 s31, v1;
	_ =	sdelay $0x1  }
0x76: {  	v0 =	vadd.f32 v1, v0;
	_ =	sdelay $0x1  }
0x77: {  	v0 =	vmul.f32 $5.000000000e-01, v0;
	_ =	sdelay $0x1  }
0x78: {  	(erf) = vrcp.f32 v0;
	_ =	sdelay $0x8  }
0x79: {  	v1 =	vpop (erf)  }
0x7a: {  	v1 =	vmul.f32 s31, v1;
	_ =	sdelay $0x1  }
0x7b: {  	v0 =	vadd.f32 v1, v0;
	_ =	sdelay $0x1  }
0x7c: {  	v0 =	vmul.f32 $5.000000000e-01, v0;
	_ =	sdelay $0x1  }
0x7d: {  	(erf) = vrcp.f32 v0;
	_ =	sdelay $0x8  }
0x7e: {  	v1 =	vpop (erf)  }
0x7f: {  	v1 =	vmul.f32 s31, v1;
	_ =	sdelay $0x1  }
0x80: {  	v0 =	vadd.f32 v1, v0;
	_ =	sdelay $0x1  }
0x81: {  	v0 =	vmul.f32 $5.000000000e-01, v0;
	_ =	sdelay $0x1  }
0x82: {  	(erf) = vrcp.f32 v0;
	_ =	sdelay $0x8  }
0x83: {  	v1 =	vpop (erf)  }
0x84: {  	v1 =	vmul.f32 s31, v1;
	_ =	sdelay $0x1  }
0x85: {  	v0 =	vadd.f32 v1, v0;
	_ =	sdelay $0x1  }
0x86: {  	v0 =	vmul.f32 $5.000000000e-01, v0;
	_ =	sdelay $0x1  }
0x87: {  	(erf) = vrcp.f32 v0;
	_ =	sdelay $0x8  }
0x88: {  	v1 =	vpop (erf)  }
0x89: {  	v1 =	vmul.f32 s31, v1;
	_ =	sdelay $0x1  }
0x8a: {  	v0 =	vadd.f32 v1, v0;
	_ =	sdelay $0x1  }
0x8b: {  	v0 =	vmul.f32 $5.000000000e-01, v0;
	_ =	sdelay $0x1  }
0x8c: {  	(erf) = vrcp.f32 v0;
	_ =	sdelay $0x8  }
0x8d: {  	v1 =	vpop (erf)  }
0x8e: {  	v1 =	vmul.f32 s31, v1;
	_ =	sdelay $0x1  }
0x8f: {  	v0 =	vadd.f32 v1, v0;
	_ =	sdelay $0x1  }
0x90: {  	v0 =	vmul.f32 $5.000000000e-01, v0;
	_ =	sdelay $0x1  }
0x91: {  	(erf) = vrcp.f32 v0;
	_ =	sdelay $0x8  }
0x92: {  	v1 =	vpop (erf)  }
0x93: {  	v1 =	vmul.f32 s31, v1;
	_ =	sdelay $0x1  }
0x94: {  	v0 =	vadd.f32 v1, v0;
	_ =	sdelay $0x1  }
0x95: {  	v0 =	vmul.f32 $5.000000000e-01, v0;
	_ =	sdelay $0x1  }
0x96: {  	(erf) = vrcp.f32 v0;
	_ =	sdelay $0x8  }
0x97: {  	v1 =	vpop (erf)  }
0x98: {  	v1 =	vmul.f32 s31, v1;
	_ =	sdelay $0x1  }
0x99: {  	v0 =	vadd.f32 v1, v0;
	_ =	sdelay $0x1  }
0x9a: {  	v0 =	vmul.f32 $5.000000000e-01, v0;
	_ =	sdelay $0x1  }
0x9b: {  	(erf) = vrcp.f32 v0;
	_ =	sdelay $0x8  }
0x9c: {  	v1 =	vpop (erf)  }
0x9d: {  	v1 =	vmul.f32 s31, v1;
	_ =	sdelay $0x1  }
0x9e: {  	v0 =	vadd.f32 v1, v0;
	_ =	sdelay $0x1  }
0x9f: {  	v0 =	vmul.f32 $5.000000000e-01, v0;
	_ =	sdelay $0x1  }
0xa0: {  	(erf) = vrcp.f32 v0;
	_ =	sdelay $0x8  }
0xa1: {  	v1 =	vpop (erf)  }
0xa2: {  	v1 =	vmul.f32 s31, v1;
	_ =	sdelay $0x1  }
0xa3: {  	v0 =	vadd.f32 v1, v0;
	_ =	sdelay $0x1  }
0xa4: {  	v0 =	vmul.f32 $5.000000000e-01, v0;
	_ =	sdelay $0x1  }
0xa5: {  	(erf) = vrcp.f32 v0;
	_ =	sdelay $0x8  }
0xa6: {  	v1 =	vpop (erf)  }
0xa7: {  	v1 =	vmul.f32 s31, v1;
	_ =	sdelay $0x1  }
0xa8: {  	v0 =	vadd.f32 v1, v0;
	_ =	sdelay $0x1  }
0xa9: {  	v0 =	vmul.f32 $5.000000000e-01, v0;
	_ =	sdelay $0x1  }
0xaa: {  	(erf) = vrcp.f32 v0;
	_ =	sdelay $0x8  }
0xab: {  	v1 =	vpop (erf)  }
0xac: {  	v1 =	vmul.f32 s31, v1;
	_ =	sdelay $0x1  }
0xad: {  	v0 =	vadd.f32 v1, v0;
	_ =	sdelay $0x1  }
0xae: {  	v0 =	vmul.f32 $5.000000000e-01, v0;
	_ =	sdelay $0x1  }
0xaf: {  	(erf) = vrcp.f32 v0;
	_ =	sdelay $0x8  }
0xb0: {  	v1 =	vpop (erf)  }
0xb1: {  	v1 =	vmul.f32 s31, v1;
	_ =	sdelay $0x1  }
0xb2: {  	v0 =	vadd.f32 v1, v0;
	_ =	sdelay $0x1  }
0xb3: {  	v0 =	vmul.f32 $5.000000000e-01, v0;
	_ =	sdelay $0x1  }
0xb4: {  	(erf) = vrcp.f32 v0;
	_ =	sdelay $0x8  }
0xb5: {  	v1 =	vpop (erf)  }
0xb6: {  	v1 =	vmul.f32 s31, v1;
	_ =	sdelay $0x1  }
0xb7: {  	v0 =	vadd.f32 v1, v0;
	_ =	sdelay $0x1  }
0xb8: {  	v0 =	vmul.f32 $5.000000000e-01, v0;
	_ =	sdelay $0x1  }
0xb9: {  	(erf) = vrcp.f32 v0;
	_ =	sdelay $0x1  }
0xba: {  	s18 =	simm.s32 $0x0  }
0xbb: {  	v1 =	vld [tilespmem:s18+$0x400];
	_ =	sdelay $0x3  }
0xbc: {  	v0 =	vmov s28  }
0xbd: {  	v3 =	vld [tilespmem:s18+$0x1C00];
	v4 =	vsub.f32 v1, v0  }
0xbe: {  	v2 =	vld [tilespmem:s18+$0x2000];
	s17 =	simm.s32 $0x10;
	v1 =	vpop (erf)  }
0xbf: {  	v5 =	vmul.f32 v4, v1;
	v4 =	vld [tilespmem:s17+$0x400];
	_ =	sdelay $0x2  }
0xc0: {  	v5 =	vmul.f32 v5, v3  }
0xc1: {  	s19 =	simm.s32 $0x0;
	s20 =	simm.s32 $0x80;
	v3 =	vld [tilespmem:s17+$0x1C00]  }
.LBB2_4:
0xc2: {  	s0 =	sshra.s32 s20, $0x2;
	p0 =	sne.s32 s20, $0xFC0;
	s20 =	sadd.s32 $0x40, s20;
	v6 =	vsub.f32 v4, v0;
	v5 =	vadd.f32 v5, v2;
	v2 =	vld [tilespmem:s17+$0x2000]  }
.Ltmp1:
0xc3: {  	v4 =	vld [tilespmem:s0+$0x400];
	(pc) =	sbr.rel @p0 .LBB2_4-.Ltmp1, $3  }
0xc4: {  	v6 =	vmul.f32 v6, v1;
	[tilespmem:s18+$0x1000] =	vst v5;
	s18 =	smov.u32 s17;
	s17 =	smov.u32 s0;
	_ =	sdelay $0x1  }
0xc5: {  	v5 =	vmul.f32 v6, v3  }
0xc6: {  	v3 =	vld [tilespmem:s17+$0x1C00]  }
0xc7: {  	v0 =	vsub.f32 v4, v0  }
0xc8: {  	v63 =	vld [tilespmem:s17+$0x2000]  }
0xc9: {  	v0 =	vmul.f32 v0, v1;
	_ =	sdelay $0x1  }
0xca: {  	v0 =	vmul.f32 v0, v3  }
0xcb: {  	v1 =	vadd.f32 v5, v2  }
0xcc: {  	v0 =	vadd.f32 v0, v63  }
0xcd: {  	[tilespmem:s18+$0x1000] =	vst v1  }
0xce: {  	s0 =	sand.u32 $0x3F0, s19;
	[tilespmem:s17+$0x1000] =	vst v0  }
0xcf: {  	v1 =	vld [tilespmem:s0+$0x800]  }
0xd0: {  	v2 =	vimm.f32 $0.0e+00;
	s17 =	simm.s32 $0x10;
	v0 =	vimm.f32 $0.0e+00  }
.LBB2_6:
0xd1: {  	p0 =	sne.s32 s17, $0x3F0  }
.Ltmp2:
0xd2: {  	_ = 	snop;
	(pc) =	sbr.rel @p0 .LBB2_6-.Ltmp2, $4  }
0xd3: {  	_ = 	snop  }
0xd4: {  	s0 =	sand.u32 $0x3F0, s17;
	s17 =	sadd.s32 $0x10, s17;
	v2 =	vadd.f32 v1, v2;
	v3 =	vmul.f32 v1, v1  }
0xd5: {  	v1 =	vld [tilespmem:s0+$0x800]  }
0xd6: {  	v0 =	vadd.f32 v3, v0  }
0xd7: {  	_ =	sdelay $0x2  }
0xd8: {  	v2 =	vadd.f32 v1, v2;
	_ =	sdelay $0x1  }
0xd9: {  	(v2sf) =	vpush v2, $0x0  }
0xda: {  	(v2sf) =	vpush v2, $0x1  }
0xdb: {  	(v2sf) =	vpush v2, $0x2  }
0xdc: {  	(v2sf) =	vpush v2, $0x3  }
0xdd: {  	(v2sf) =	vpush v2, $0x4  }
0xde: {  	(v2sf) =	vpush v2, $0x5  }
0xdf: {  	(v2sf) =	vpush v2, $0x6  }
0xe0: {  	(v2sf) =	vpush v2, $0x7  }
0xe1: {  	(v2sf) =	vpush v2, $0x8  }
0xe2: {  	(v2sf) =	vpush v2, $0x9  }
0xe3: {  	(v2sf) =	vpush v2, $0xA  }
0xe4: {  	(v2sf) =	vpush v2, $0xB  }
0xe5: {  	v1 =	vmul.f32 v1, v1;
	(v2sf) =	vpush v2, $0xC  }
0xe6: {  	(v2sf) =	vpush v2, $0xD  }
0xe7: {  	v0 =	vadd.f32 v1, v0;
	(v2sf) =	vpush v2, $0xE  }
0xe8: {  	s0 =	spop (v2sf);
	(v2sf) =	vpush v2, $0xF  }
0xe9: {  	s1 =	spop (v2sf);
	(v2sf) =	vpush v0, $0x0  }
0xea: {  	s4 =	spop (v2sf);
	(v2sf) =	vpush v0, $0x1  }
0xeb: {  	s17 =	spop (v2sf)  }
0xec: {  	(v2sf) =	vpush v0, $0x2;
	s18 =	spop (v2sf)  }
0xed: {  	s19 =	spop (v2sf)  }
0xee: {  	(v2sf) =	vpush v0, $0x3;
	s20 =	spop (v2sf)  }
0xef: {  	s21 =	spop (v2sf)  }
0xf0: {  	(v2sf) =	vpush v0, $0x4;
	s22 =	spop (v2sf)  }
0xf1: {  	s23 =	spop (v2sf)  }
0xf2: {  	(v2sf) =	vpush v0, $0x5;
	s24 =	spop (v2sf)  }
0xf3: {  	s25 =	spop (v2sf)  }
0xf4: {  	(v2sf) =	vpush v0, $0x6;
	s26 =	spop (v2sf)  }
0xf5: {  	s0 =	sadd.f32 $0.0e+00, s0;
	s28 =	spop (v2sf)  }
0xf6: {  	(v2sf) =	vpush v0, $0x7;
	s29 =	spop (v2sf)  }
0xf7: {  	s0 =	sadd.f32 s0, s1;
	s30 =	spop (v2sf)  }
0xf8: {  	(v2sf) =	vpush v0, $0x8;
	s31 =	spop (v2sf)  }
0xf9: {  	s0 =	sadd.f32 s0, s4;
	s1 =	spop (v2sf)  }
0xfa: {  	(v2sf) =	vpush v0, $0x9;
	s1 =	sadd.f32 s1, s31  }
0xfb: {  	s0 =	sadd.f32 s0, s17;
	s31 =	spop (v2sf)  }
0xfc: {  	(v2sf) =	vpush v0, $0xA;
	s1 =	sadd.f32 s1, s31  }
0xfd: {  	s0 =	sadd.f32 s0, s18;
	s17 =	spop (v2sf)  }
0xfe: {  	(v2sf) =	vpush v0, $0xB;
	s1 =	sadd.f32 s1, s17  }
0xff: {  	s0 =	sadd.f32 s0, s19;
	s18 =	spop (v2sf)  }
0x100: {  	(v2sf) =	vpush v0, $0xC;
	s1 =	sadd.f32 s1, s18  }
0x101: {  	s0 =	sadd.f32 s0, s20;
	s31 =	spop (v2sf)  }
0x102: {  	(v2sf) =	vpush v0, $0xD;
	s1 =	sadd.f32 s1, s31  }
0x103: {  	s0 =	sadd.f32 s0, s21;
	s17 =	spop (v2sf)  }
0x104: {  	(v2sf) =	vpush v0, $0xE;
	s1 =	sadd.f32 s1, s17  }
0x105: {  	s0 =	sadd.f32 s0, s22;
	s18 =	spop (v2sf)  }
0x106: {  	(v2sf) =	vpush v0, $0xF;
	s1 =	sadd.f32 s1, s18  }
0x107: {  	s0 =	sadd.f32 s0, s23;
	s19 =	spop (v2sf)  }
0x108: {  	s1 =	sadd.f32 s1, s19  }
0x109: {  	s0 =	sadd.f32 s0, s24;
	s20 =	spop (v2sf)  }
0x10a: {  	s1 =	sadd.f32 s1, s20  }
0x10b: {  	s0 =	sadd.f32 s0, s25;
	s21 =	spop (v2sf)  }
0x10c: {  	s1 =	sadd.f32 s1, s21  }
0x10d: {  	s0 =	sadd.f32 s0, s26;
	s22 =	spop (v2sf)  }
0x10e: {  	s1 =	sadd.f32 s1, s22  }
0x10f: {  	s0 =	sadd.f32 s0, s28;
	s23 =	spop (v2sf)  }
0x110: {  	s1 =	sadd.f32 s1, s23  }
0x111: {  	s0 =	sadd.f32 s0, s29;
	s24 =	spop (v2sf)  }
0x112: {  	s1 =	sadd.f32 s1, s24  }
0x113: {  	s0 =	sadd.f32 s0, s30;
	s25 =	spop (v2sf)  }
0x114: {  	s1 =	sadd.f32 s1, s25  }
0x115: {  	s28 =	smul.f32 $9.765625000e-04, s0;
	s26 =	spop (v2sf)  }
0x116: {  	s1 =	sadd.f32 s1, s26  }
0x117: {  	s30 =	smul.f32 s28, s28  }
0x118: {  	s29 =	smul.f32 $9.765625000e-04, s1;
	_ =	sdelay $0x1  }
0x119: {  	s0 =	ssub.f32 s29, s30;
	_ =	sdelay $0x1  }
0x11a: {  	s31 =	sadd.f32 $9.999999960e-13, s0;
	_ =	sdelay $0x1  }
0x11b: {  	v0 =	vmov s31  }
0x11c: {  	v0 =	vadd.f32 $1.000000000e+00, v0;
	_ =	sdelay $0x1  }
0x11d: {  	v0 =	vmul.f32 $5.000000000e-01, v0;
	_ =	sdelay $0x1  }
0x11e: {  	(erf) = vrcp.f32 v0;
	_ =	sdelay $0x8  }
0x11f: {  	v1 =	vpop (erf)  }
0x120: {  	v1 =	vmul.f32 s31, v1;
	_ =	sdelay $0x1  }
0x121: {  	v0 =	vadd.f32 v1, v0;
	_ =	sdelay $0x1  }
0x122: {  	v0 =	vmul.f32 $5.000000000e-01, v0;
	_ =	sdelay $0x1  }
0x123: {  	(erf) = vrcp.f32 v0;
	_ =	sdelay $0x8  }
0x124: {  	v1 =	vpop (erf)  }
0x125: {  	v1 =	vmul.f32 s31, v1;
	_ =	sdelay $0x1  }
0x126: {  	v0 =	vadd.f32 v1, v0;
	_ =	sdelay $0x1  }
0x127: {  	v0 =	vmul.f32 $5.000000000e-01, v0;
	_ =	sdelay $0x1  }
0x128: {  	(erf) = vrcp.f32 v0;
	_ =	sdelay $0x8  }
0x129: {  	v1 =	vpop (erf)  }
0x12a: {  	v1 =	vmul.f32 s31, v1;
	_ =	sdelay $0x1  }
0x12b: {  	v0 =	vadd.f32 v1, v0;
	_ =	sdelay $0x1  }
0x12c: {  	v0 =	vmul.f32 $5.000000000e-01, v0;
	_ =	sdelay $0x1  }
0x12d: {  	(erf) = vrcp.f32 v0;
	_ =	sdelay $0x8  }
0x12e: {  	v1 =	vpop (erf)  }
0x12f: {  	v1 =	vmul.f32 s31, v1;
	_ =	sdelay $0x1  }
0x130: {  	v0 =	vadd.f32 v1, v0;
	_ =	sdelay $0x1  }
0x131: {  	v0 =	vmul.f32 $5.000000000e-01, v0;
	_ =	sdelay $0x1  }
0x132: {  	(erf) = vrcp.f32 v0;
	_ =	sdelay $0x8  }
0x133: {  	v1 =	vpop (erf)  }
0x134: {  	v1 =	vmul.f32 s31, v1;
	_ =	sdelay $0x1  }
0x135: {  	v0 =	vadd.f32 v1, v0;
	_ =	sdelay $0x1  }
0x136: {  	v0 =	vmul.f32 $5.000000000e-01, v0;
	_ =	sdelay $0x1  }
0x137: {  	(erf) = vrcp.f32 v0;
	_ =	sdelay $0x8  }
0x138: {  	v1 =	vpop (erf)  }
0x139: {  	v1 =	vmul.f32 s31, v1;
	_ =	sdelay $0x1  }
0x13a: {  	v0 =	vadd.f32 v1, v0;
	_ =	sdelay $0x1  }
0x13b: {  	v0 =	vmul.f32 $5.000000000e-01, v0;
	_ =	sdelay $0x1  }
0x13c: {  	(erf) = vrcp.f32 v0;
	_ =	sdelay $0x8  }
0x13d: {  	v1 =	vpop (erf)  }
0x13e: {  	v1 =	vmul.f32 s31, v1;
	_ =	sdelay $0x1  }
0x13f: {  	v0 =	vadd.f32 v1, v0;
	_ =	sdelay $0x1  }
0x140: {  	v0 =	vmul.f32 $5.000000000e-01, v0;
	_ =	sdelay $0x1  }
0x141: {  	(erf) = vrcp.f32 v0;
	_ =	sdelay $0x8  }
0x142: {  	v1 =	vpop (erf)  }
0x143: {  	v1 =	vmul.f32 s31, v1;
	_ =	sdelay $0x1  }
0x144: {  	v0 =	vadd.f32 v1, v0;
	_ =	sdelay $0x1  }
0x145: {  	v0 =	vmul.f32 $5.000000000e-01, v0;
	_ =	sdelay $0x1  }
0x146: {  	(erf) = vrcp.f32 v0;
	_ =	sdelay $0x8  }
0x147: {  	v1 =	vpop (erf)  }
0x148: {  	v1 =	vmul.f32 s31, v1;
	_ =	sdelay $0x1  }
0x149: {  	v0 =	vadd.f32 v1, v0;
	_ =	sdelay $0x1  }
0x14a: {  	v0 =	vmul.f32 $5.000000000e-01, v0;
	_ =	sdelay $0x1  }
0x14b: {  	(erf) = vrcp.f32 v0;
	_ =	sdelay $0x8  }
0x14c: {  	v1 =	vpop (erf)  }
0x14d: {  	v1 =	vmul.f32 s31, v1;
	_ =	sdelay $0x1  }
0x14e: {  	v0 =	vadd.f32 v1, v0;
	_ =	sdelay $0x1  }
0x14f: {  	v0 =	vmul.f32 $5.000000000e-01, v0;
	_ =	sdelay $0x1  }
0x150: {  	(erf) = vrcp.f32 v0;
	_ =	sdelay $0x8  }
0x151: {  	v1 =	vpop (erf)  }
0x152: {  	v1 =	vmul.f32 s31, v1;
	_ =	sdelay $0x1  }
0x153: {  	v0 =	vadd.f32 v1, v0;
	_ =	sdelay $0x1  }
0x154: {  	v0 =	vmul.f32 $5.000000000e-01, v0;
	_ =	sdelay $0x1  }
0x155: {  	(erf) = vrcp.f32 v0;
	_ =	sdelay $0x8  }
0x156: {  	v1 =	vpop (erf)  }
0x157: {  	v1 =	vmul.f32 s31, v1;
	_ =	sdelay $0x1  }
0x158: {  	v0 =	vadd.f32 v1, v0;
	_ =	sdelay $0x1  }
0x159: {  	v0 =	vmul.f32 $5.000000000e-01, v0;
	_ =	sdelay $0x1  }
0x15a: {  	(erf) = vrcp.f32 v0;
	_ =	sdelay $0x8  }
0x15b: {  	v1 =	vpop (erf)  }
0x15c: {  	v1 =	vmul.f32 s31, v1;
	_ =	sdelay $0x1  }
0x15d: {  	v0 =	vadd.f32 v1, v0;
	_ =	sdelay $0x1  }
0x15e: {  	v0 =	vmul.f32 $5.000000000e-01, v0;
	_ =	sdelay $0x1  }
0x15f: {  	(erf) = vrcp.f32 v0;
	_ =	sdelay $0x8  }
0x160: {  	v1 =	vpop (erf)  }
0x161: {  	v1 =	vmul.f32 s31, v1;
	_ =	sdelay $0x1  }
0x162: {  	v0 =	vadd.f32 v1, v0;
	_ =	sdelay $0x1  }
0x163: {  	v0 =	vmul.f32 $5.000000000e-01, v0;
	_ =	sdelay $0x1  }
0x164: {  	(erf) = vrcp.f32 v0;
	_ =	sdelay $0x8  }
0x165: {  	v1 =	vpop (erf)  }
0x166: {  	v1 =	vmul.f32 s31, v1;
	_ =	sdelay $0x1  }
0x167: {  	v0 =	vadd.f32 v1, v0;
	_ =	sdelay $0x1  }
0x168: {  	v0 =	vmul.f32 $5.000000000e-01, v0;
	_ =	sdelay $0x1  }
0x169: {  	(erf) = vrcp.f32 v0;
	_ =	sdelay $0x1  }
0x16a: {  	s18 =	simm.s32 $0x0  }
0x16b: {  	v1 =	vld [tilespmem:s18+$0x800];
	_ =	sdelay $0x3  }
0x16c: {  	v0 =	vmov s28  }
0x16d: {  	v3 =	vld [tilespmem:s18+$0x1C00];
	v4 =	vsub.f32 v1, v0  }
0x16e: {  	s17 =	simm.s32 $0x10;
	v2 =	vld [tilespmem:s18+$0x2000];
	v1 =	vpop (erf)  }
0x16f: {  	v5 =	vmul.f32 v4, v1;
	v4 =	vld [tilespmem:s17+$0x800];
	_ =	sdelay $0x2  }
0x170: {  	v5 =	vmul.f32 v5, v3  }
0x171: {  	s19 =	simm.s32 $0x0;
	s20 =	simm.s32 $0x80;
	v3 =	vld [tilespmem:s17+$0x1C00]  }
.LBB2_8:
0x172: {  	s0 =	sshra.s32 s20, $0x2;
	p0 =	sne.s32 s20, $0xFC0;
	s20 =	sadd.s32 $0x40, s20;
	v6 =	vsub.f32 v4, v0;
	v5 =	vadd.f32 v5, v2;
	v2 =	vld [tilespmem:s17+$0x2000]  }
.Ltmp3:
0x173: {  	v4 =	vld [tilespmem:s0+$0x800];
	(pc) =	sbr.rel @p0 .LBB2_8-.Ltmp3, $3  }
0x174: {  	v6 =	vmul.f32 v6, v1;
	[tilespmem:s18+$0x1400] =	vst v5;
	s18 =	smov.u32 s17;
	s17 =	smov.u32 s0;
	_ =	sdelay $0x1  }
0x175: {  	v5 =	vmul.f32 v6, v3  }
0x176: {  	v3 =	vld [tilespmem:s17+$0x1C00]  }
0x177: {  	v0 =	vsub.f32 v4, v0  }
0x178: {  	v63 =	vld [tilespmem:s17+$0x2000]  }
0x179: {  	v0 =	vmul.f32 v0, v1;
	_ =	sdelay $0x1  }
0x17a: {  	v0 =	vmul.f32 v0, v3  }
0x17b: {  	v1 =	vadd.f32 v5, v2  }
0x17c: {  	v0 =	vadd.f32 v0, v63  }
0x17d: {  	[tilespmem:s18+$0x1400] =	vst v1  }
0x17e: {  	s0 =	sand.u32 $0x3F0, s19;
	[tilespmem:s17+$0x1400] =	vst v0  }
0x17f: {  	v1 =	vld [tilespmem:s0+$0xC00]  }
0x180: {  	v2 =	vimm.f32 $0.0e+00;
	s17 =	simm.s32 $0x10;
	v0 =	vimm.f32 $0.0e+00  }
.LBB2_10:
0x181: {  	p0 =	sne.s32 s17, $0x3F0  }
.Ltmp4:
0x182: {  	_ = 	snop;
	(pc) =	sbr.rel @p0 .LBB2_10-.Ltmp4, $4  }
0x183: {  	_ = 	snop  }
0x184: {  	s0 =	sand.u32 $0x3F0, s17;
	s17 =	sadd.s32 $0x10, s17;
	v2 =	vadd.f32 v1, v2;
	v3 =	vmul.f32 v1, v1  }
0x185: {  	v1 =	vld [tilespmem:s0+$0xC00]  }
0x186: {  	v0 =	vadd.f32 v3, v0  }
0x187: {  	_ =	sdelay $0x2  }
0x188: {  	v2 =	vadd.f32 v1, v2;
	_ =	sdelay $0x1  }
0x189: {  	(v2sf) =	vpush v2, $0x0  }
0x18a: {  	(v2sf) =	vpush v2, $0x1  }
0x18b: {  	(v2sf) =	vpush v2, $0x2  }
0x18c: {  	(v2sf) =	vpush v2, $0x3  }
0x18d: {  	(v2sf) =	vpush v2, $0x4  }
0x18e: {  	(v2sf) =	vpush v2, $0x5  }
0x18f: {  	(v2sf) =	vpush v2, $0x6  }
0x190: {  	(v2sf) =	vpush v2, $0x7  }
0x191: {  	(v2sf) =	vpush v2, $0x8  }
0x192: {  	(v2sf) =	vpush v2, $0x9  }
0x193: {  	(v2sf) =	vpush v2, $0xA  }
0x194: {  	(v2sf) =	vpush v2, $0xB  }
0x195: {  	v1 =	vmul.f32 v1, v1;
	(v2sf) =	vpush v2, $0xC  }
0x196: {  	(v2sf) =	vpush v2, $0xD  }
0x197: {  	v0 =	vadd.f32 v1, v0;
	(v2sf) =	vpush v2, $0xE  }
0x198: {  	s0 =	spop (v2sf);
	(v2sf) =	vpush v2, $0xF  }
0x199: {  	s1 =	spop (v2sf);
	(v2sf) =	vpush v0, $0x0  }
0x19a: {  	s4 =	spop (v2sf);
	(v2sf) =	vpush v0, $0x1  }
0x19b: {  	s17 =	spop (v2sf)  }
0x19c: {  	(v2sf) =	vpush v0, $0x2;
	s18 =	spop (v2sf)  }
0x19d: {  	s19 =	spop (v2sf)  }
0x19e: {  	(v2sf) =	vpush v0, $0x3;
	s20 =	spop (v2sf)  }
0x19f: {  	s21 =	spop (v2sf)  }
0x1a0: {  	(v2sf) =	vpush v0, $0x4;
	s22 =	spop (v2sf)  }
0x1a1: {  	s23 =	spop (v2sf)  }
0x1a2: {  	(v2sf) =	vpush v0, $0x5;
	s24 =	spop (v2sf)  }
0x1a3: {  	s25 =	spop (v2sf)  }
0x1a4: {  	(v2sf) =	vpush v0, $0x6;
	s26 =	spop (v2sf)  }
0x1a5: {  	s0 =	sadd.f32 $0.0e+00, s0;
	s28 =	spop (v2sf)  }
0x1a6: {  	(v2sf) =	vpush v0, $0x7;
	s29 =	spop (v2sf)  }
0x1a7: {  	s0 =	sadd.f32 s0, s1;
	s30 =	spop (v2sf)  }
0x1a8: {  	(v2sf) =	vpush v0, $0x8;
	s31 =	spop (v2sf)  }
0x1a9: {  	s0 =	sadd.f32 s0, s4;
	s1 =	spop (v2sf)  }
0x1aa: {  	(v2sf) =	vpush v0, $0x9;
	s1 =	sadd.f32 s1, s31  }
0x1ab: {  	s0 =	sadd.f32 s0, s17;
	s31 =	spop (v2sf)  }
0x1ac: {  	(v2sf) =	vpush v0, $0xA;
	s1 =	sadd.f32 s1, s31  }
0x1ad: {  	s0 =	sadd.f32 s0, s18;
	s17 =	spop (v2sf)  }
0x1ae: {  	(v2sf) =	vpush v0, $0xB;
	s1 =	sadd.f32 s1, s17  }
0x1af: {  	s0 =	sadd.f32 s0, s19;
	s18 =	spop (v2sf)  }
0x1b0: {  	(v2sf) =	vpush v0, $0xC;
	s1 =	sadd.f32 s1, s18  }
0x1b1: {  	s0 =	sadd.f32 s0, s20;
	s31 =	spop (v2sf)  }
0x1b2: {  	(v2sf) =	vpush v0, $0xD;
	s1 =	sadd.f32 s1, s31  }
0x1b3: {  	s0 =	sadd.f32 s0, s21;
	s17 =	spop (v2sf)  }
0x1b4: {  	(v2sf) =	vpush v0, $0xE;
	s1 =	sadd.f32 s1, s17  }
0x1b5: {  	s0 =	sadd.f32 s0, s22;
	s18 =	spop (v2sf)  }
0x1b6: {  	(v2sf) =	vpush v0, $0xF;
	s1 =	sadd.f32 s1, s18  }
0x1b7: {  	s0 =	sadd.f32 s0, s23;
	s19 =	spop (v2sf)  }
0x1b8: {  	s1 =	sadd.f32 s1, s19  }
0x1b9: {  	s0 =	sadd.f32 s0, s24;
	s20 =	spop (v2sf)  }
0x1ba: {  	s1 =	sadd.f32 s1, s20  }
0x1bb: {  	s0 =	sadd.f32 s0, s25;
	s21 =	spop (v2sf)  }
0x1bc: {  	s1 =	sadd.f32 s1, s21  }
0x1bd: {  	s0 =	sadd.f32 s0, s26;
	s22 =	spop (v2sf)  }
0x1be: {  	s1 =	sadd.f32 s1, s22  }
0x1bf: {  	s0 =	sadd.f32 s0, s28;
	s23 =	spop (v2sf)  }
0x1c0: {  	s1 =	sadd.f32 s1, s23  }
0x1c1: {  	s0 =	sadd.f32 s0, s29;
	s24 =	spop (v2sf)  }
0x1c2: {  	s1 =	sadd.f32 s1, s24  }
0x1c3: {  	s0 =	sadd.f32 s0, s30;
	s25 =	spop (v2sf)  }
0x1c4: {  	s1 =	sadd.f32 s1, s25  }
0x1c5: {  	s28 =	smul.f32 $9.765625000e-04, s0;
	s26 =	spop (v2sf)  }
0x1c6: {  	s1 =	sadd.f32 s1, s26  }
0x1c7: {  	s30 =	smul.f32 s28, s28  }
0x1c8: {  	s29 =	smul.f32 $9.765625000e-04, s1;
	_ =	sdelay $0x1  }
0x1c9: {  	s0 =	ssub.f32 s29, s30;
	_ =	sdelay $0x1  }
0x1ca: {  	s31 =	sadd.f32 $9.999999960e-13, s0;
	_ =	sdelay $0x1  }
0x1cb: {  	v0 =	vmov s31  }
0x1cc: {  	v0 =	vadd.f32 $1.000000000e+00, v0;
	_ =	sdelay $0x1  }
0x1cd: {  	v0 =	vmul.f32 $5.000000000e-01, v0;
	_ =	sdelay $0x1  }
0x1ce: {  	(erf) = vrcp.f32 v0;
	_ =	sdelay $0x8  }
0x1cf: {  	v1 =	vpop (erf)  }
0x1d0: {  	v1 =	vmul.f32 s31, v1;
	_ =	sdelay $0x1  }
0x1d1: {  	v0 =	vadd.f32 v1, v0;
	_ =	sdelay $0x1  }
0x1d2: {  	v0 =	vmul.f32 $5.000000000e-01, v0;
	_ =	sdelay $0x1  }
0x1d3: {  	(erf) = vrcp.f32 v0;
	_ =	sdelay $0x8  }
0x1d4: {  	v1 =	vpop (erf)  }
0x1d5: {  	v1 =	vmul.f32 s31, v1;
	_ =	sdelay $0x1  }
0x1d6: {  	v0 =	vadd.f32 v1, v0;
	_ =	sdelay $0x1  }
0x1d7: {  	v0 =	vmul.f32 $5.000000000e-01, v0;
	_ =	sdelay $0x1  }
0x1d8: {  	(erf) = vrcp.f32 v0;
	_ =	sdelay $0x8  }
0x1d9: {  	v1 =	vpop (erf)  }
0x1da: {  	v1 =	vmul.f32 s31, v1;
	_ =	sdelay $0x1  }
0x1db: {  	v0 =	vadd.f32 v1, v0;
	_ =	sdelay $0x1  }
0x1dc: {  	v0 =	vmul.f32 $5.000000000e-01, v0;
	_ =	sdelay $0x1  }
0x1dd: {  	(erf) = vrcp.f32 v0;
	_ =	sdelay $0x8  }
0x1de: {  	v1 =	vpop (erf)  }
0x1df: {  	v1 =	vmul.f32 s31, v1;
	_ =	sdelay $0x1  }
0x1e0: {  	v0 =	vadd.f32 v1, v0;
	_ =	sdelay $0x1  }
0x1e1: {  	v0 =	vmul.f32 $5.000000000e-01, v0;
	_ =	sdelay $0x1  }
0x1e2: {  	(erf) = vrcp.f32 v0;
	_ =	sdelay $0x8  }
0x1e3: {  	v1 =	vpop (erf)  }
0x1e4: {  	v1 =	vmul.f32 s31, v1;
	_ =	sdelay $0x1  }
0x1e5: {  	v0 =	vadd.f32 v1, v0;
	_ =	sdelay $0x1  }
0x1e6: {  	v0 =	vmul.f32 $5.000000000e-01, v0;
	_ =	sdelay $0x1  }
0x1e7: {  	(erf) = vrcp.f32 v0;
	_ =	sdelay $0x8  }
0x1e8: {  	v1 =	vpop (erf)  }
0x1e9: {  	v1 =	vmul.f32 s31, v1;
	_ =	sdelay $0x1  }
0x1ea: {  	v0 =	vadd.f32 v1, v0;
	_ =	sdelay $0x1  }
0x1eb: {  	v0 =	vmul.f32 $5.000000000e-01, v0;
	_ =	sdelay $0x1  }
0x1ec: {  	(erf) = vrcp.f32 v0;
	_ =	sdelay $0x8  }
0x1ed: {  	v1 =	vpop (erf)  }
0x1ee: {  	v1 =	vmul.f32 s31, v1;
	_ =	sdelay $0x1  }
0x1ef: {  	v0 =	vadd.f32 v1, v0;
	_ =	sdelay $0x1  }
0x1f0: {  	v0 =	vmul.f32 $5.000000000e-01, v0;
	_ =	sdelay $0x1  }
0x1f1: {  	(erf) = vrcp.f32 v0;
	_ =	sdelay $0x8  }
0x1f2: {  	v1 =	vpop (erf)  }
0x1f3: {  	v1 =	vmul.f32 s31, v1;
	_ =	sdelay $0x1  }
0x1f4: {  	v0 =	vadd.f32 v1, v0;
	_ =	sdelay $0x1  }
0x1f5: {  	v0 =	vmul.f32 $5.000000000e-01, v0;
	_ =	sdelay $0x1  }
0x1f6: {  	(erf) = vrcp.f32 v0;
	_ =	sdelay $0x8  }
0x1f7: {  	v1 =	vpop (erf)  }
0x1f8: {  	v1 =	vmul.f32 s31, v1;
	_ =	sdelay $0x1  }
0x1f9: {  	v0 =	vadd.f32 v1, v0;
	_ =	sdelay $0x1  }
0x1fa: {  	v0 =	vmul.f32 $5.000000000e-01, v0;
	_ =	sdelay $0x1  }
0x1fb: {  	(erf) = vrcp.f32 v0;
	_ =	sdelay $0x8  }
0x1fc: {  	v1 =	vpop (erf)  }
0x1fd: {  	v1 =	vmul.f32 s31, v1;
	_ =	sdelay $0x1  }
0x1fe: {  	v0 =	vadd.f32 v1, v0;
	_ =	sdelay $0x1  }
0x1ff: {  	v0 =	vmul.f32 $5.000000000e-01, v0;
	_ =	sdelay $0x1  }
0x200: {  	(erf) = vrcp.f32 v0;
	_ =	sdelay $0x8  }
0x201: {  	v1 =	vpop (erf)  }
0x202: {  	v1 =	vmul.f32 s31, v1;
	_ =	sdelay $0x1  }
0x203: {  	v0 =	vadd.f32 v1, v0;
	_ =	sdelay $0x1  }
0x204: {  	v0 =	vmul.f32 $5.000000000e-01, v0;
	_ =	sdelay $0x1  }
0x205: {  	(erf) = vrcp.f32 v0;
	_ =	sdelay $0x8  }
0x206: {  	v1 =	vpop (erf)  }
0x207: {  	v1 =	vmul.f32 s31, v1;
	_ =	sdelay $0x1  }
0x208: {  	v0 =	vadd.f32 v1, v0;
	_ =	sdelay $0x1  }
0x209: {  	v0 =	vmul.f32 $5.000000000e-01, v0;
	_ =	sdelay $0x1  }
0x20a: {  	(erf) = vrcp.f32 v0;
	_ =	sdelay $0x8  }
0x20b: {  	v1 =	vpop (erf)  }
0x20c: {  	v1 =	vmul.f32 s31, v1;
	_ =	sdelay $0x1  }
0x20d: {  	v0 =	vadd.f32 v1, v0;
	_ =	sdelay $0x1  }
0x20e: {  	v0 =	vmul.f32 $5.000000000e-01, v0;
	_ =	sdelay $0x1  }
0x20f: {  	(erf) = vrcp.f32 v0;
	_ =	sdelay $0x8  }
0x210: {  	v1 =	vpop (erf)  }
0x211: {  	v1 =	vmul.f32 s31, v1;
	_ =	sdelay $0x1  }
0x212: {  	v0 =	vadd.f32 v1, v0;
	_ =	sdelay $0x1  }
0x213: {  	v0 =	vmul.f32 $5.000000000e-01, v0;
	_ =	sdelay $0x1  }
0x214: {  	(erf) = vrcp.f32 v0;
	_ =	sdelay $0x8  }
0x215: {  	v1 =	vpop (erf)  }
0x216: {  	v1 =	vmul.f32 s31, v1;
	_ =	sdelay $0x1  }
0x217: {  	v0 =	vadd.f32 v1, v0;
	_ =	sdelay $0x1  }
0x218: {  	v0 =	vmul.f32 $5.000000000e-01, v0;
	_ =	sdelay $0x1  }
0x219: {  	(erf) = vrcp.f32 v0;
	_ =	sdelay $0x1  }
0x21a: {  	s18 =	simm.s32 $0x0  }
0x21b: {  	v1 =	vld [tilespmem:s18+$0xC00];
	_ =	sdelay $0x3  }
0x21c: {  	v0 =	vmov s28  }
0x21d: {  	v3 =	vld [tilespmem:s18+$0x1C00];
	v4 =	vsub.f32 v1, v0  }
0x21e: {  	s17 =	simm.s32 $0x10;
	v2 =	vld [tilespmem:s18+$0x2000];
	v1 =	vpop (erf)  }
0x21f: {  	v5 =	vmul.f32 v4, v1;
	v4 =	vld [tilespmem:s17+$0xC00];
	_ =	sdelay $0x2  }
0x220: {  	v5 =	vmul.f32 v5, v3  }
0x221: {  	s19 =	simm.s32 $0x80;
	v3 =	vld [tilespmem:s17+$0x1C00]  }
.LBB2_12:
0x222: {  	s0 =	sshra.s32 s19, $0x2;
	p0 =	sne.s32 s19, $0xFC0;
	s19 =	sadd.s32 $0x40, s19;
	v6 =	vsub.f32 v4, v0;
	v5 =	vadd.f32 v5, v2;
	v2 =	vld [tilespmem:s17+$0x2000]  }
.Ltmp5:
0x223: {  	v4 =	vld [tilespmem:s0+$0xC00];
	(pc) =	sbr.rel @p0 .LBB2_12-.Ltmp5, $3  }
0x224: {  	v6 =	vmul.f32 v6, v1;
	[tilespmem:s18+$0x1800] =	vst v5;
	s18 =	smov.u32 s17;
	s17 =	smov.u32 s0;
	_ =	sdelay $0x1  }
0x225: {  	v5 =	vmul.f32 v6, v3  }
0x226: {  	v3 =	vld [tilespmem:s17+$0x1C00]  }
0x227: {  	v0 =	vsub.f32 v4, v0  }
0x228: {  	v61 =	vld [tilespmem:s17+$0x2000]  }
0x229: {  	v0 =	vmul.f32 v0, v1;
	_ =	sdelay $0x1  }
0x22a: {  	v0 =	vmul.f32 v0, v3  }
0x22b: {  	v62 =	vadd.f32 v5, v2  }
0x22c: {  	v0 =	vadd.f32 v0, v61  }
0x22d: {  	[tilespmem:s18+$0x1800] =	vst v62  }
0x22e: {  	[tilespmem:s17+$0x1800] =	vst v0  }
0x22f: {  	_ =	swait.ge [sflag:s14], $0x400  }
0x230: {  	[sflag:s14] =	ssyncset.done $0x0  }
0x231: {  	s0 =	simm.s32 $0x0;
	[sflag:s14] =	ssyncadd.s32 $0xFFFFFC00  }
0x232: {  	v63 =	vld [tilespmem:s0+$0x0];
	_ =	sdelay $0x4  }
0x233: {  	v0 =	vshll.u32 v63, $0xC  }
0x234: {  	v0 =	vshra.s32 v0, $0x2  }
0x235: {  	v0 =	vadd.s32 $0x1000, v0  }
0x236: {  	(v2sf) =	vpush v0, $0x0;
	_ =	sdelay $0x1  }
0x237: {  	(v2sf) =	vpush v0, $0x1;
	_ =	sdelay $0x1  }
0x238: {  	(v2sf) =	vpush v0, $0x2;
	_ =	sdelay $0x1  }
0x239: {  	(v2sf) =	vpush v0, $0x3;
	_ =	sdelay $0x1  }
0x23a: {  	(v2sf) =	vpush v0, $0x4;
	_ =	sdelay $0x1  }
0x23b: {  	(v2sf) =	vpush v0, $0x5;
	_ =	sdelay $0x1  }
0x23c: {  	(v2sf) =	vpush v0, $0x6;
	_ =	sdelay $0x1  }
0x23d: {  	s17 =	rddreg [dreg:$0x6];
	(v2sf) =	vpush v0, $0x7  }
0x23e: {  	s0 =	sadd.s32 $0x0, s17;
	s17 =	simm.s32 $0x400;
	s1 =	spop (v2sf)  }
0x23f: {  	(v2sf) =	vpush v0, $0x8;
	[hbm4b:s0+s8] =	stream.strided.scatter [tilespmem:s1], [sflag:$0x1], $0x400, s17, s8, $0x38;
	[tilespmem:$0x2400] =	vst v63  }
0x240: {  	s18 =	sadd.s32 $0x10, s0;
	s4 =	spop (v2sf);
	(v2sf) =	vpush v0, $0x9  }
0x241: {  	[hbm4b:s18+s8] =	stream.strided.scatter [tilespmem:s4], [sflag:$0x1], $0x400, s17, s8, $0x38;
	[tilespmem:$0x2400] =	vst v63  }
0x242: {  	s19 =	sadd.s32 $0x20, s0;
	s20 =	spop (v2sf);
	(v2sf) =	vpush v0, $0xA  }
0x243: {  	[hbm4b:s19+s8] =	stream.strided.scatter [tilespmem:s20], [sflag:$0x1], $0x400, s17, s8, $0x38;
	[tilespmem:$0x2400] =	vst v63  }
0x244: {  	s21 =	sadd.s32 $0x30, s0;
	s22 =	spop (v2sf);
	(v2sf) =	vpush v0, $0xB  }
0x245: {  	[hbm4b:s21+s8] =	stream.strided.scatter [tilespmem:s22], [sflag:$0x1], $0x400, s17, s8, $0x38;
	[tilespmem:$0x2400] =	vst v63  }
0x246: {  	s23 =	sadd.s32 $0x40, s0;
	s24 =	spop (v2sf);
	(v2sf) =	vpush v0, $0xC  }
0x247: {  	[hbm4b:s23+s8] =	stream.strided.scatter [tilespmem:s24], [sflag:$0x1], $0x400, s17, s8, $0x38;
	[tilespmem:$0x2400] =	vst v63  }
0x248: {  	s25 =	sadd.s32 $0x50, s0;
	s26 =	spop (v2sf);
	(v2sf) =	vpush v0, $0xD  }
0x249: {  	[hbm4b:s25+s8] =	stream.strided.scatter [tilespmem:s26], [sflag:$0x1], $0x400, s17, s8, $0x38;
	[tilespmem:$0x2400] =	vst v63  }
0x24a: {  	s28 =	sadd.s32 $0x60, s0;
	s29 =	spop (v2sf);
	(v2sf) =	vpush v0, $0xE  }
0x24b: {  	[hbm4b:s28+s8] =	stream.strided.scatter [tilespmem:s29], [sflag:$0x1], $0x400, s17, s8, $0x38;
	[tilespmem:$0x2400] =	vst v63  }
0x24c: {  	s30 =	sadd.s32 $0x70, s0;
	s31 =	spop (v2sf);
	(v2sf) =	vpush v0, $0xF  }
0x24d: {  	[hbm4b:s30+s8] =	stream.strided.scatter [tilespmem:s31], [sflag:$0x1], $0x400, s17, s8, $0x38;
	[tilespmem:$0x2400] =	vst v63  }
0x24e: {  	s18 =	spop (v2sf)  }
0x24f: {  	s4 =	sadd.s32 $0x400, s0;
	s20 =	spop (v2sf)  }
0x250: {  	[hbm4b:s4+s8] =	stream.strided.scatter [tilespmem:s18], [sflag:$0x1], $0x400, s17, s8, $0x38;
	[tilespmem:$0x2400] =	vst v63  }
0x251: {  	s19 =	sadd.s32 $0x410, s0;
	s22 =	spop (v2sf)  }
0x252: {  	[hbm4b:s19+s8] =	stream.strided.scatter [tilespmem:s20], [sflag:$0x1], $0x400, s17, s8, $0x38;
	[tilespmem:$0x2400] =	vst v63  }
0x253: {  	s21 =	sadd.s32 $0x420, s0;
	s24 =	spop (v2sf)  }
0x254: {  	[hbm4b:s21+s8] =	stream.strided.scatter [tilespmem:s22], [sflag:$0x1], $0x400, s17, s8, $0x38;
	[tilespmem:$0x2400] =	vst v63  }
0x255: {  	s23 =	sadd.s32 $0x430, s0;
	s26 =	spop (v2sf)  }
0x256: {  	[hbm4b:s23+s8] =	stream.strided.scatter [tilespmem:s24], [sflag:$0x1], $0x400, s17, s8, $0x38;
	[tilespmem:$0x2400] =	vst v63  }
0x257: {  	s25 =	sadd.s32 $0x440, s0;
	s28 =	sadd.s32 $0x450, s0;
	s29 =	spop (v2sf)  }
0x258: {  	[hbm4b:s25+s8] =	stream.strided.scatter [tilespmem:s26], [sflag:$0x1], $0x400, s17, s8, $0x38;
	[tilespmem:$0x2400] =	vst v63  }
0x259: {  	s30 =	sadd.s32 $0x460, s0;
	s18 =	simm.s32 $0x800;
	s31 =	spop (v2sf)  }
0x25a: {  	[hbm4b:s28+s8] =	stream.strided.scatter [tilespmem:s29], [sflag:$0x1], $0x400, s17, s8, $0x38;
	[tilespmem:$0x2400] =	vst v63  }
0x25b: {  	s20 =	sadd.s32 $0x470, s0;
	s19 =	simm.s32 $0x10;
	s21 =	spop (v2sf)  }
0x25c: {  	[hbm4b:s30+s8] =	stream.strided.scatter [tilespmem:s31], [sflag:$0x1], $0x400, s17, s8, $0x38;
	[tilespmem:$0x2400] =	vst v63  }
.LBB2_14:
0x25d: {  	[hbm4b:s20+s8] =	stream.strided.scatter [tilespmem:s21], [sflag:$0x1], $0x400, s17, s8, $0x38;
	[tilespmem:$0x2400] =	vst v63  }
0x25e: {  	v0 =	vld [tilespmem:s19+$0x0];
	_ =	sdelay $0x4  }
0x25f: {  	v0 =	vshll.u32 v0, $0xC  }
0x260: {  	v0 =	vshra.s32 v0, $0x2  }
0x261: {  	v0 =	vadd.s32 $0x1000, v0  }
0x262: {  	(v2sf) =	vpush v0, $0x0;
	_ =	sdelay $0x1  }
0x263: {  	(v2sf) =	vpush v0, $0x1;
	_ =	sdelay $0x1  }
0x264: {  	(v2sf) =	vpush v0, $0x2;
	_ =	sdelay $0x1  }
0x265: {  	(v2sf) =	vpush v0, $0x3;
	_ =	sdelay $0x1  }
0x266: {  	(v2sf) =	vpush v0, $0x4;
	_ =	sdelay $0x1  }
0x267: {  	(v2sf) =	vpush v0, $0x5;
	_ =	sdelay $0x1  }
0x268: {  	(v2sf) =	vpush v0, $0x6;
	_ =	sdelay $0x1  }
0x269: {  	s0 =	smov.u32 s18;
	s1 =	rddreg [dreg:$0x6];
	(v2sf) =	vpush v0, $0x7  }
0x26a: {  	s20 =	sadd.s32 s0, s1;
	s26 =	spop (v2sf)  }
0x26b: {  	(v2sf) =	vpush v0, $0x8;
	[hbm4b:s20+s8] =	stream.strided.scatter [tilespmem:s26], [sflag:$0x1], $0x400, s17, s8, $0x38;
	[tilespmem:$0x2400] =	vst v63  }
0x26c: {  	s28 =	sadd.s32 $0x10, s20;
	s29 =	spop (v2sf)  }
0x26d: {  	(v2sf) =	vpush v0, $0x9;
	[hbm4b:s28+s8] =	stream.strided.scatter [tilespmem:s29], [sflag:$0x1], $0x400, s17, s8, $0x38;
	[tilespmem:$0x2400] =	vst v63  }
0x26e: {  	s30 =	sadd.s32 $0x20, s20;
	s31 =	spop (v2sf)  }
0x26f: {  	(v2sf) =	vpush v0, $0xA;
	[hbm4b:s30+s8] =	stream.strided.scatter [tilespmem:s31], [sflag:$0x1], $0x400, s17, s8, $0x38;
	[tilespmem:$0x2400] =	vst v63  }
0x270: {  	s1 =	sadd.s32 $0x30, s20;
	s4 =	spop (v2sf)  }
0x271: {  	(v2sf) =	vpush v0, $0xB;
	[hbm4b:s1+s8] =	stream.strided.scatter [tilespmem:s4], [sflag:$0x1], $0x400, s17, s8, $0x38;
	[tilespmem:$0x2400] =	vst v63  }
0x272: {  	s21 =	sadd.s32 $0x40, s20;
	s22 =	spop (v2sf)  }
0x273: {  	(v2sf) =	vpush v0, $0xC;
	[hbm4b:s21+s8] =	stream.strided.scatter [tilespmem:s22], [sflag:$0x1], $0x400, s17, s8, $0x38;
	[tilespmem:$0x2400] =	vst v63  }
0x274: {  	s23 =	sadd.s32 $0x50, s20;
	s24 =	spop (v2sf)  }
0x275: {  	(v2sf) =	vpush v0, $0xD;
	[hbm4b:s23+s8] =	stream.strided.scatter [tilespmem:s24], [sflag:$0x1], $0x400, s17, s8, $0x38;
	[tilespmem:$0x2400] =	vst v63  }
0x276: {  	s25 =	sadd.s32 $0x60, s20;
	s26 =	spop (v2sf);
	(v2sf) =	vpush v0, $0xE  }
0x277: {  	[hbm4b:s25+s8] =	stream.strided.scatter [tilespmem:s26], [sflag:$0x1], $0x400, s17, s8, $0x38;
	[tilespmem:$0x2400] =	vst v63  }
0x278: {  	s28 =	sadd.s32 $0x70, s20;
	s29 =	spop (v2sf);
	(v2sf) =	vpush v0, $0xF  }
0x279: {  	[hbm4b:s28+s8] =	stream.strided.scatter [tilespmem:s29], [sflag:$0x1], $0x400, s17, s8, $0x38;
	[tilespmem:$0x2400] =	vst v63  }
0x27a: {  	s30 =	sadd.s32 $0x400, s20;
	s31 =	spop (v2sf)  }
0x27b: {  	[hbm4b:s30+s8] =	stream.strided.scatter [tilespmem:s31], [sflag:$0x1], $0x400, s17, s8, $0x38;
	[tilespmem:$0x2400] =	vst v63  }
0x27c: {  	s1 =	sadd.s32 $0x410, s20;
	s4 =	spop (v2sf)  }
0x27d: {  	[hbm4b:s1+s8] =	stream.strided.scatter [tilespmem:s4], [sflag:$0x1], $0x400, s17, s8, $0x38;
	[tilespmem:$0x2400] =	vst v63  }
0x27e: {  	s21 =	sadd.s32 $0x420, s20;
	s22 =	spop (v2sf)  }
0x27f: {  	[hbm4b:s21+s8] =	stream.strided.scatter [tilespmem:s22], [sflag:$0x1], $0x400, s17, s8, $0x38;
	[tilespmem:$0x2400] =	vst v63  }
0x280: {  	s23 =	sadd.s32 $0x430, s20;
	s24 =	spop (v2sf)  }
0x281: {  	[hbm4b:s23+s8] =	stream.strided.scatter [tilespmem:s24], [sflag:$0x1], $0x400, s17, s8, $0x38;
	[tilespmem:$0x2400] =	vst v63  }
0x282: {  	p0 =	sne.s32 s18, $0x1F800;
	s25 =	sadd.s32 $0x440, s20;
	s26 =	spop (v2sf)  }
0x283: {  	[hbm4b:s25+s8] =	stream.strided.scatter [tilespmem:s26], [sflag:$0x1], $0x400, s17, s8, $0x38;
	[tilespmem:$0x2400] =	vst v63  }
.Ltmp6:
0x284: {  	s18 =	sadd.s32 $0x800, s18;
	s29 =	spop (v2sf);
	(pc) =	sbr.rel @p0 .LBB2_14-.Ltmp6, $4  }
0x285: {  	s19 =	sadd.s32 $0x10, s19;
	s28 =	sadd.s32 $0x450, s20;
	s31 =	spop (v2sf)  }
0x286: {  	[hbm4b:s28+s8] =	stream.strided.scatter [tilespmem:s29], [sflag:$0x1], $0x400, s17, s8, $0x38;
	[tilespmem:$0x2400] =	vst v63  }
0x287: {  	s30 =	sadd.s32 $0x460, s20;
	s20 =	sadd.s32 $0x470, s20;
	s21 =	spop (v2sf)  }
0x288: {  	[hbm4b:s30+s8] =	stream.strided.scatter [tilespmem:s31], [sflag:$0x1], $0x400, s17, s8, $0x38;
	[tilespmem:$0x2400] =	vst v63  }
0x289: {  	[hbm4b:s20+s8] =	stream.strided.scatter [tilespmem:s21], [sflag:$0x1], $0x400, s17, s8, $0x38;
	[tilespmem:$0x2400] =	vst v63  }
0x28a: {  	_ =	swait.ge [sflag:s15], $0x400  }
0x28b: {  	s17 =	simm.s32 $0x3FF;
	[sflag:s15] =	ssyncset.done $0x0  }
.LBB2_16:
0x28c: {  	p0 =	sne.s32 s17, $0x1;
	s17 =	sadd.s32 $0xFFFFFFFF, s17;
	[sflag:s15] =	ssyncadd.s32 $0xFFFFFC00  }
.Ltmp7:
0x28d: {  	(pc) =	sbr.rel @p0 .LBB2_16-.Ltmp7, $3  }
0x28e: {  	_ =	sdelay $0x1  }
0x28f: {  	_ =	swait.ge [sflag:s15], $0x400  }
0x290: {  	[sflag:s15] =	ssyncset.done $0x0  }
0x291: {  	s16 =	sadd.s32 $0x1, s16  }
0x292: {  	p0 =	sne.s32 s16, s7  }
.Ltmp8:
0x293: {  	_ = 	snop;
	(pc) =	sbr.rel @p0 .LBB2_1-.Ltmp8, $2  }
0x294: {  	_ =	sdelay $0x2  }
0x295: {  	[sflag:s15] =	ssyncadd.s32 $0xFFFFFC00  }
0x296: {  	_ =	sfence.sel $0x180000  }
0x297: {  	[bflag:$0x0] =	sbarrier.arrive $0xFFFF  }
0x298: {  	_ =	strace $0x90000047  }
0x299: {  	s0 =	stileid.u32;
	[bflag:$0x2] =	sbarrier.arrive $0xFFFF  }
0x29a: {  	p0 =	sne.s32 s0, $0x0;
	s0 =	rddreg [dreg:$0x5]  }
0x29b: {  	s0 =	sadd.s32 @!p0 $0x100000, s0  }
0x29c: {  	[sflag:s0] =	ssyncadd.tile.s32 @!p0 $0x1;
	_ =	shalt  }
.Lfunc_end2:
_tile_overlayer_lowered:
.L_overlay_start_2:
0x29d: {  	(tag) =	ssettag $0x2  }
0x29e: {  	s0 =	rddreg [dreg:$0x0];
	s2 =	stileid.u32  }
0x29f: {  	s1 =	rddreg [dreg:$0x1];
	p0 =	sne.s32 s2, $0x0  }
0x2a0: {  	s3 =	rddreg [dreg:$0x2];
	[bflag:$0x3] =	sbarrier.arrive $0xFFFF;
	s2 =	simm.s32 @!p0 $0x1C03  }
0x2a1: {  	[timem:s3], [sflag:s2] =	dma.local @!p0 [hbm:s0], s1  }
0x2a2: {  	s0 =	simm.s32 @!p0 $0x3  }
0x2a3: {  	_ =	swait.ge @!p0 [sflag:s0], s1  }
0x2a4: {  	s1 =	ssub.s32 @!p0 $0x0, s1;
	[sflag:s0] =	ssyncset.done @!p0 $0x0  }
0x2a5: {  	[sflag:s0] =	ssyncadd.s32 @!p0 s1  }
0x2a6: {  	[bflag:$0x3] =	sbarrier.arrive $0xFFFF  }
0x2a7: {  	_ =	shalt  }

</sc_bundles>
